<compile_context>
chip_gen: v7x
topology: tpu7x:2x2x1
jax: 0.10.2.dev20260603
libtpu: 0.0.44.dev20260713+nightly
codegen_flags: <defaults>
</compile_context>

<pallas_src>
import functools

import jax
import jax.numpy as jnp
from jax import lax
from jax.experimental import pallas as pl
from jax.experimental.pallas import tpu as pltpu
from jax.experimental.pallas import tpu_sc as plsc

N_NODES = 10000
N_EDGES = 320000
D = 128

NC = 2
NS = 16
NW = NC * NS

N_PAD = 10240
ROWS_PER_TILE = N_PAD // NS

CHUNK = 128
NCHUNK = 82
E_PER_TILE = NCHUNK * CHUNK
E_PAD = NW * E_PER_TILE
EXTRA_PER_TILE = E_PER_TILE - N_EDGES // NW

_mesh = plsc.VectorSubcoreMesh(core_axis_name="c", subcore_axis_name="s")
_sc_params = pltpu.CompilerParams(use_tc_tiling_on_sc=False)


@functools.partial(
    pl.kernel,
    mesh=_mesh,
    compiler_params=_sc_params,
    out_type=jax.ShapeDtypeStruct((NC, N_PAD), jnp.float32),
    scratch_types=[
        pltpu.VMEM((NCHUNK, CHUNK), jnp.int32),
        pltpu.VMEM((CHUNK,), jnp.float32),
        pltpu.VMEM((ROWS_PER_TILE,), jnp.float32),
        pltpu.VMEM_SHARED((N_PAD,), jnp.float32),
        pltpu.SemaphoreType.DMA,
    ],
)
def _deg_kernel(dst_hbm, deg_out, dst_v, ones_v, zeros_v, acc, sem):
    cid = lax.axis_index("c")
    sid = lax.axis_index("s")
    wid = cid * NS + sid

    for i in range(CHUNK // 16):
        ones_v[pl.ds(i * 16, 16)] = jnp.ones((16,), jnp.float32)
    for i in range(ROWS_PER_TILE // 16):
        zeros_v[pl.ds(i * 16, 16)] = jnp.zeros((16,), jnp.float32)

    pltpu.sync_copy(zeros_v, acc.at[pl.ds(sid * ROWS_PER_TILE, ROWS_PER_TILE)])
    pltpu.sync_copy(dst_hbm.at[pl.ds(wid * NCHUNK, NCHUNK)], dst_v)
    plsc.subcore_barrier()

    def body(j, carry):
        pltpu.async_copy(ones_v, acc.at[dst_v.at[j]], sem, add=True)
        return carry

    lax.fori_loop(0, NCHUNK, body, 0)

    def drain(j, carry):
        pltpu.make_async_copy(ones_v, acc.at[dst_v.at[j]], sem).wait()
        return carry

    lax.fori_loop(0, NCHUNK, drain, 0)
    plsc.subcore_barrier()

    sl = pl.ds(sid * ROWS_PER_TILE, ROWS_PER_TILE)
    pltpu.sync_copy(acc.at[sl], deg_out.at[cid, sl])


@functools.partial(
    pl.kernel,
    mesh=_mesh,
    compiler_params=_sc_params,
    out_type=jax.ShapeDtypeStruct((NC, N_PAD, D), jnp.bfloat16),
    scratch_types=[
        pltpu.VMEM((NCHUNK, CHUNK), jnp.int32),
        pltpu.VMEM((NCHUNK, CHUNK), jnp.int32),
        pltpu.VMEM((CHUNK, D), jnp.bfloat16),
        pltpu.VMEM((CHUNK, D), jnp.bfloat16),
        pltpu.VMEM((8, D), jnp.bfloat16),
        pltpu.VMEM_SHARED((N_PAD, D), jnp.bfloat16),
        pltpu.SemaphoreType.DMA,
        pltpu.SemaphoreType.DMA,
    ],
)
def _agg_kernel(src_hbm, dst_hbm, h2_hbm, agg_out,
                src_v, dst_v, rows0, rows1, ztile, acc, sem0, sem1):
    cid = lax.axis_index("c")
    sid = lax.axis_index("s")
    wid = cid * NS + sid

    for r in range(8):
        for c in range(D // 32):
            ztile[r, pl.ds(c * 32, 32)] = jnp.zeros((32,), jnp.bfloat16)

    def zcopy(j, carry):
        pltpu.async_copy(
            ztile, acc.at[pl.ds(sid * ROWS_PER_TILE + j * 8, 8)], sem0)
        return carry
    lax.fori_loop(0, ROWS_PER_TILE // 8, zcopy, 0)
    pltpu.async_copy(src_hbm.at[pl.ds(wid * NCHUNK, NCHUNK)], src_v, sem1)
    pltpu.async_copy(dst_hbm.at[pl.ds(wid * NCHUNK, NCHUNK)], dst_v, sem1)

    def zdrain(j, carry):
        pltpu.make_async_copy(
            ztile, acc.at[pl.ds(sid * ROWS_PER_TILE + j * 8, 8)], sem0).wait()
        return carry
    lax.fori_loop(0, ROWS_PER_TILE // 8, zdrain, 0)
    pltpu.make_async_copy(src_hbm.at[pl.ds(wid * NCHUNK, NCHUNK)], src_v,
                          sem1).wait()
    pltpu.make_async_copy(dst_hbm.at[pl.ds(wid * NCHUNK, NCHUNK)], dst_v,
                          sem1).wait()
    plsc.subcore_barrier()

    def gat(j, rows, sem):
        return pltpu.async_copy(h2_hbm.at[src_v.at[j]], rows, sem)

    gat(0, rows0, sem0)

    def body(g, carry):
        j0 = 2 * g
        j1 = j0 + 1
        j2 = j0 + 2
        gat(j1, rows1, sem1)
        pltpu.make_async_copy(h2_hbm.at[src_v.at[j0]], rows0, sem0).wait()
        pltpu.sync_copy(rows0, acc.at[dst_v.at[j0]], add=True)

        @pl.when(j2 < NCHUNK)
        def _():
            gat(j2, rows0, sem0)

        pltpu.make_async_copy(h2_hbm.at[src_v.at[j1]], rows1, sem1).wait()
        pltpu.sync_copy(rows1, acc.at[dst_v.at[j1]], add=True)
        return carry

    lax.fori_loop(0, NCHUNK // 2, body, 0)
    plsc.subcore_barrier()

    sl = pl.ds(sid * ROWS_PER_TILE, ROWS_PER_TILE)
    pltpu.sync_copy(acc.at[sl], agg_out.at[cid, sl])


_BLK = 512
_GRID = N_PAD // _BLK


def _h2_body(x_ref, w_ref, deg_ref, h2b_ref):
    deg = jnp.maximum(deg_ref[0, :] + deg_ref[1, :], 1.0)
    dis = lax.rsqrt(deg)
    h = jnp.dot(x_ref[...], w_ref[...], preferred_element_type=jnp.float32)
    h2b_ref[...] = (h * dis[:, None]).astype(jnp.bfloat16)


def _h2_call(x_pad, W, degp):
    return pl.pallas_call(
        _h2_body,
        grid=(_GRID,),
        in_specs=[
            pl.BlockSpec((_BLK, D), lambda i: (i, 0)),
            pl.BlockSpec((D, D), lambda i: (0, 0)),
            pl.BlockSpec((NC, _BLK), lambda i: (0, i)),
        ],
        out_specs=pl.BlockSpec((_BLK, D), lambda i: (i, 0)),
        out_shape=jax.ShapeDtypeStruct((N_PAD, D), jnp.bfloat16),
    )(x_pad, W, degp)


def _out_body(agg_ref, deg_ref, b_ref, out_ref):
    deg = jnp.maximum(deg_ref[:, 0] + deg_ref[:, 1], 1.0)
    dis = lax.rsqrt(deg)
    s = agg_ref[0].astype(jnp.float32) + agg_ref[1].astype(jnp.float32)
    out_ref[...] = jnp.maximum(s * dis[:, None] + b_ref[...], 0.0)


_OBLK = 400
_OGRID = N_NODES // _OBLK


def _out_call(agg, degp_t, b2):
    return pl.pallas_call(
        _out_body,
        grid=(_OGRID,),
        in_specs=[
            pl.BlockSpec((NC, _OBLK, D), lambda i: (0, i, 0)),
            pl.BlockSpec((_OBLK, NC), lambda i: (i, 0)),
            pl.BlockSpec((1, D), lambda i: (0, 0)),
        ],
        out_specs=pl.BlockSpec((_OBLK, D), lambda i: (i, 0)),
        out_shape=jax.ShapeDtypeStruct((N_NODES, D), jnp.float32),
    )(agg, degp_t, b2)


def kernel(x, edge_index, W, b):
    src = edge_index[0].astype(jnp.int32)
    dst = edge_index[1].astype(jnp.int32)

    n_fill = E_PAD - N_EDGES - N_NODES
    loop = jnp.arange(N_NODES, dtype=jnp.int32)
    karr = jnp.arange(n_fill, dtype=jnp.int32)
    ex_src = jnp.concatenate([loop, karr % N_NODES])
    ex_dst = jnp.concatenate([loop, N_NODES + karr % (N_PAD - N_NODES)])

    def layout(real, extra):
        return jnp.concatenate(
            [real.reshape(NW, N_EDGES // NW), extra.reshape(NW, EXTRA_PER_TILE)],
            axis=1).reshape(NW * NCHUNK, CHUNK)

    src_all = layout(src, ex_src)
    dst_all = layout(dst, ex_dst)

    degp = _deg_kernel(dst_all)

    x_pad = jnp.pad(x, ((0, N_PAD - N_NODES), (0, 0)))
    h2b = _h2_call(x_pad, W, degp)

    agg = _agg_kernel(src_all, dst_all, h2b)

    return _out_call(agg, degp.T, b.reshape(1, D))

# --- scband reference (transcript-rebuilt; emitter-appended) ---
"""Pipeline reference for scband-gcnlayer-1125281432194 (READ-ONLY COPY).

The authoritative reference and input builder live on the scoring server;
editing this copy changes nothing except your own understanding.
"""

import jax, jax.numpy as jnp
import numpy as np

N_NODES = 10000
N_EDGES = 320000
D_IN = 128
D_OUT = 128

def setup_inputs(seed: int = 0) -> dict:
    key = jax.random.key(seed)
    k1, k2, k3, k4 = jax.random.split(key, 4)
    x = jax.random.normal(k1, (N_NODES, D_IN), dtype=jnp.float32)
    edge_index = jax.random.randint(k2, (2, N_EDGES), 0, N_NODES, dtype=jnp.int64)
    # GCNConv linear weight (glorot-ish) and bias
    W = jax.random.normal(k3, (D_IN, D_OUT), dtype=jnp.float32) * (1.0 / np.sqrt(D_IN))
    b = jnp.zeros((D_OUT,), dtype=jnp.float32)
    return {"x": x, "edge_index": edge_index, "W": W, "b": b}

def reference(x, edge_index, W, b):
    # Faithful GCNConv (PyG semantics): add self-loops, symmetric norm
    # D^{-1/2} A_hat D^{-1/2} (X W) + b, then ReLU (relu0 in the module).
    N = x.shape[0]
    loop = jnp.arange(N, dtype=edge_index.dtype)
    src = jnp.concatenate([edge_index[0], loop])
    dst = jnp.concatenate([edge_index[1], loop])
    # degree computed on destination nodes with unit edge weights
    deg = jnp.zeros((N,), dtype=x.dtype).at[dst].add(1.0)
    deg_inv_sqrt = jnp.where(deg > 0, 1.0 / jnp.sqrt(deg), 0.0)
    norm = deg_inv_sqrt[src] * deg_inv_sqrt[dst]
    h = x @ W
    msg = h[src] * norm[:, None]          # gather (SparseCore)
    out = jnp.zeros((N, h.shape[1]), dtype=x.dtype).at[dst].add(msg)  # scatter-add
    out = out + b
    return jax.nn.relu(out)

if __name__ == "__main__":
    import jax
    _d = setup_inputs()
    print(jax.jit(kernel)(*tuple(_d.values())))

</pallas_src>

<mosaic_0001>
#map = affine_map<(d0, d1) -> (0, 0)>
module attributes {stable_mosaic.version = 14 : i64} {
  func.func @_deg_kernel(%arg0: i32, %arg1: i32, %arg2: memref<2624x128xi32, #tpu.memory_space<hbm>>, %arg3: memref<2x10240xf32, #tpu.memory_space<hbm>>, %arg4: memref<82x128xi32, #tpu.memory_space<vmem>>, %arg5: memref<128xf32, #tpu.memory_space<vmem>>, %arg6: memref<640xf32, #tpu.memory_space<vmem>>, %arg7: memref<10240xf32, #tpu.memory_space<vmem_shared>>, %arg8: memref<!tpu.dma_semaphore, #tpu.memory_space<semaphore_mem>>) attributes {dimension_semantics = [#tpu.dimension_semantics<core_parallel>, #tpu.dimension_semantics<subcore_parallel>], iteration_bounds = array<i64: 2, 16>, scalar_prefetch = 0 : i64, scratch_operands = 5 : i64, tpu.core_type = #tpu.core_type<sc_vector_subcore>, window_params = [{transform_indices = #map}, {transform_indices = #map}]} {
    %mul3A = arith.constant 16 : i32
    %mul3A_0 = arith.muli %arg0, %mul3A : i32
    %add3A = arith.addi %mul3A_0, %arg1 : i32
    %broadcast_in_dim3A = arith.constant 1.000000e+00 : f32
    %broadcast_in_dim3A_1 = vector.broadcast %broadcast_in_dim3A : f32 to vector<16xf32>
    %swap3A = arith.constant 0 : index
    %swap3A_2 = tpu.vector_load %arg5[%swap3A] {strides = array<i32>} : memref<128xf32, #tpu.memory_space<vmem>>, vector<16xf32>,
    %swap3A_3 = vector.shape_cast %swap3A_2 : vector<16xf32> to vector<16xf32>
    %swap3A_4 = vector.shape_cast %broadcast_in_dim3A_1 : vector<16xf32> to vector<16xf32>
    tpu.vector_store %arg5[%swap3A], %swap3A_4 {strides = array<i32>} : memref<128xf32, #tpu.memory_space<vmem>>, vector<16xf32>,
    %broadcast_in_dim3A_5 = arith.constant 1.000000e+00 : f32
    %broadcast_in_dim3A_6 = vector.broadcast %broadcast_in_dim3A_5 : f32 to vector<16xf32>
    %swap3A_7 = arith.constant 16 : index
    %swap3A_8 = tpu.vector_load %arg5[%swap3A_7] {strides = array<i32>} : memref<128xf32, #tpu.memory_space<vmem>>, vector<16xf32>,
    %swap3A_9 = vector.shape_cast %swap3A_8 : vector<16xf32> to vector<16xf32>
    %swap3A_10 = vector.shape_cast %broadcast_in_dim3A_6 : vector<16xf32> to vector<16xf32>
    tpu.vector_store %arg5[%swap3A_7], %swap3A_10 {strides = array<i32>} : memref<128xf32, #tpu.memory_space<vmem>>, vector<16xf32>,
    %broadcast_in_dim3A_11 = arith.constant 1.000000e+00 : f32
    %broadcast_in_dim3A_12 = vector.broadcast %broadcast_in_dim3A_11 : f32 to vector<16xf32>
    %swap3A_13 = arith.constant 32 : index
    %swap3A_14 = tpu.vector_load %arg5[%swap3A_13] {strides = array<i32>} : memref<128xf32, #tpu.memory_space<vmem>>, vector<16xf32>,
    %swap3A_15 = vector.shape_cast %swap3A_14 : vector<16xf32> to vector<16xf32>
    %swap3A_16 = vector.shape_cast %broadcast_in_dim3A_12 : vector<16xf32> to vector<16xf32>
    tpu.vector_store %arg5[%swap3A_13], %swap3A_16 {strides = array<i32>} : memref<128xf32, #tpu.memory_space<vmem>>, vector<16xf32>,
    %broadcast_in_dim3A_17 = arith.constant 1.000000e+00 : f32
    %broadcast_in_dim3A_18 = vector.broadcast %broadcast_in_dim3A_17 : f32 to vector<16xf32>
    %swap3A_19 = arith.constant 48 : index
    %swap3A_20 = tpu.vector_load %arg5[%swap3A_19] {strides = array<i32>} : memref<128xf32, #tpu.memory_space<vmem>>, vector<16xf32>,
    %swap3A_21 = vector.shape_cast %swap3A_20 : vector<16xf32> to vector<16xf32>
    %swap3A_22 = vector.shape_cast %broadcast_in_dim3A_18 : vector<16xf32> to vector<16xf32>
    tpu.vector_store %arg5[%swap3A_19], %swap3A_22 {strides = array<i32>} : memref<128xf32, #tpu.memory_space<vmem>>, vector<16xf32>,
    %broadcast_in_dim3A_23 = arith.constant 1.000000e+00 : f32
    %broadcast_in_dim3A_24 = vector.broadcast %broadcast_in_dim3A_23 : f32 to vector<16xf32>
    %swap3A_25 = arith.constant 64 : index
    %swap3A_26 = tpu.vector_load %arg5[%swap3A_25] {strides = array<i32>} : memref<128xf32, #tpu.memory_space<vmem>>, vector<16xf32>,
    %swap3A_27 = vector.shape_cast %swap3A_26 : vector<16xf32> to vector<16xf32>
    %swap3A_28 = vector.shape_cast %broadcast_in_dim3A_24 : vector<16xf32> to vector<16xf32>
    tpu.vector_store %arg5[%swap3A_25], %swap3A_28 {strides = array<i32>} : memref<128xf32, #tpu.memory_space<vmem>>, vector<16xf32>,
    %broadcast_in_dim3A_29 = arith.constant 1.000000e+00 : f32
    %broadcast_in_dim3A_30 = vector.broadcast %broadcast_in_dim3A_29 : f32 to vector<16xf32>
    %swap3A_31 = arith.constant 80 : index
    %swap3A_32 = tpu.vector_load %arg5[%swap3A_31] {strides = array<i32>} : memref<128xf32, #tpu.memory_space<vmem>>, vector<16xf32>,
    %swap3A_33 = vector.shape_cast %swap3A_32 : vector<16xf32> to vector<16xf32>
    %swap3A_34 = vector.shape_cast %broadcast_in_dim3A_30 : vector<16xf32> to vector<16xf32>
    tpu.vector_store %arg5[%swap3A_31], %swap3A_34 {strides = array<i32>} : memref<128xf32, #tpu.memory_space<vmem>>, vector<16xf32>,
    %broadcast_in_dim3A_35 = arith.constant 1.000000e+00 : f32
    %broadcast_in_dim3A_36 = vector.broadcast %broadcast_in_dim3A_35 : f32 to vector<16xf32>
    %swap3A_37 = arith.constant 96 : index
    %swap3A_38 = tpu.vector_load %arg5[%swap3A_37] {strides = array<i32>} : memref<128xf32, #tpu.memory_space<vmem>>, vector<16xf32>,
    %swap3A_39 = vector.shape_cast %swap3A_38 : vector<16xf32> to vector<16xf32>
    %swap3A_40 = vector.shape_cast %broadcast_in_dim3A_36 : vector<16xf32> to vector<16xf32>
    tpu.vector_store %arg5[%swap3A_37], %swap3A_40 {strides = array<i32>} : memref<128xf32, #tpu.memory_space<vmem>>, vector<16xf32>,
    %broadcast_in_dim3A_41 = arith.constant 1.000000e+00 : f32
    %broadcast_in_dim3A_42 = vector.broadcast %broadcast_in_dim3A_41 : f32 to vector<16xf32>
    %swap3A_43 = arith.constant 112 : index
    %swap3A_44 = tpu.vector_load %arg5[%swap3A_43] {strides = array<i32>} : memref<128xf32, #tpu.memory_space<vmem>>, vector<16xf32>,
    %swap3A_45 = vector.shape_cast %swap3A_44 : vector<16xf32> to vector<16xf32>
    %swap3A_46 = vector.shape_cast %broadcast_in_dim3A_42 : vector<16xf32> to vector<16xf32>
    tpu.vector_store %arg5[%swap3A_43], %swap3A_46 {strides = array<i32>} : memref<128xf32, #tpu.memory_space<vmem>>, vector<16xf32>,
    %broadcast_in_dim3A_47 = arith.constant 0.000000e+00 : f32
    %broadcast_in_dim3A_48 = vector.broadcast %broadcast_in_dim3A_47 : f32 to vector<16xf32>
    %swap3A_49 = arith.constant 0 : index
    %swap3A_50 = tpu.vector_load %arg6[%swap3A_49] {strides = array<i32>} : memref<640xf32, #tpu.memory_space<vmem>>, vector<16xf32>,
    %swap3A_51 = vector.shape_cast %swap3A_50 : vector<16xf32> to vector<16xf32>
    %swap3A_52 = vector.shape_cast %broadcast_in_dim3A_48 : vector<16xf32> to vector<16xf32>
    tpu.vector_store %arg6[%swap3A_49], %swap3A_52 {strides = array<i32>} : memref<640xf32, #tpu.memory_space<vmem>>, vector<16xf32>,
    %broadcast_in_dim3A_53 = arith.constant 0.000000e+00 : f32
    %broadcast_in_dim3A_54 = vector.broadcast %broadcast_in_dim3A_53 : f32 to vector<16xf32>
    %swap3A_55 = arith.constant 16 : index
    %swap3A_56 = tpu.vector_load %arg6[%swap3A_55] {strides = array<i32>} : memref<640xf32, #tpu.memory_space<vmem>>, vector<16xf32>,
    %swap3A_57 = vector.shape_cast %swap3A_56 : vector<16xf32> to vector<16xf32>
    %swap3A_58 = vector.shape_cast %broadcast_in_dim3A_54 : vector<16xf32> to vector<16xf32>
    tpu.vector_store %arg6[%swap3A_55], %swap3A_58 {strides = array<i32>} : memref<640xf32, #tpu.memory_space<vmem>>, vector<16xf32>,
    %broadcast_in_dim3A_59 = arith.constant 0.000000e+00 : f32
    %broadcast_in_dim3A_60 = vector.broadcast %broadcast_in_dim3A_59 : f32 to vector<16xf32>
    %swap3A_61 = arith.constant 32 : index
    %swap3A_62 = tpu.vector_load %arg6[%swap3A_61] {strides = array<i32>} : memref<640xf32, #tpu.memory_space<vmem>>, vector<16xf32>,
    %swap3A_63 = vector.shape_cast %swap3A_62 : vector<16xf32> to vector<16xf32>
    %swap3A_64 = vector.shape_cast %broadcast_in_dim3A_60 : vector<16xf32> to vector<16xf32>
    tpu.vector_store %arg6[%swap3A_61], %swap3A_64 {strides = array<i32>} : memref<640xf32, #tpu.memory_space<vmem>>, vector<16xf32>,
    %broadcast_in_dim3A_65 = arith.constant 0.000000e+00 : f32
    %broadcast_in_dim3A_66 = vector.broadcast %broadcast_in_dim3A_65 : f32 to vector<16xf32>
    %swap3A_67 = arith.constant 48 : index
    %swap3A_68 = tpu.vector_load %arg6[%swap3A_67] {strides = array<i32>} : memref<640xf32, #tpu.memory_space<vmem>>, vector<16xf32>,
    %swap3A_69 = vector.shape_cast %swap3A_68 : vector<16xf32> to vector<16xf32>
    %swap3A_70 = vector.shape_cast %broadcast_in_dim3A_66 : vector<16xf32> to vector<16xf32>
    tpu.vector_store %arg6[%swap3A_67], %swap3A_70 {strides = array<i32>} : memref<640xf32, #tpu.memory_space<vmem>>, vector<16xf32>,
    %broadcast_in_dim3A_71 = arith.constant 0.000000e+00 : f32
    %broadcast_in_dim3A_72 = vector.broadcast %broadcast_in_dim3A_71 : f32 to vector<16xf32>
    %swap3A_73 = arith.constant 64 : index
    %swap3A_74 = tpu.vector_load %arg6[%swap3A_73] {strides = array<i32>} : memref<640xf32, #tpu.memory_space<vmem>>, vector<16xf32>,
    %swap3A_75 = vector.shape_cast %swap3A_74 : vector<16xf32> to vector<16xf32>
    %swap3A_76 = vector.shape_cast %broadcast_in_dim3A_72 : vector<16xf32> to vector<16xf32>
    tpu.vector_store %arg6[%swap3A_73], %swap3A_76 {strides = array<i32>} : memref<640xf32, #tpu.memory_space<vmem>>, vector<16xf32>,
    %broadcast_in_dim3A_77 = arith.constant 0.000000e+00 : f32
    %broadcast_in_dim3A_78 = vector.broadcast %broadcast_in_dim3A_77 : f32 to vector<16xf32>
    %swap3A_79 = arith.constant 80 : index
    %swap3A_80 = tpu.vector_load %arg6[%swap3A_79] {strides = array<i32>} : memref<640xf32, #tpu.memory_space<vmem>>, vector<16xf32>,
    %swap3A_81 = vector.shape_cast %swap3A_80 : vector<16xf32> to vector<16xf32>
    %swap3A_82 = vector.shape_cast %broadcast_in_dim3A_78 : vector<16xf32> to vector<16xf32>
    tpu.vector_store %arg6[%swap3A_79], %swap3A_82 {strides = array<i32>} : memref<640xf32, #tpu.memory_space<vmem>>, vector<16xf32>,
    %broadcast_in_dim3A_83 = arith.constant 0.000000e+00 : f32
    %broadcast_in_dim3A_84 = vector.broadcast %broadcast_in_dim3A_83 : f32 to vector<16xf32>
    %swap3A_85 = arith.constant 96 : index
    %swap3A_86 = tpu.vector_load %arg6[%swap3A_85] {strides = array<i32>} : memref<640xf32, #tpu.memory_space<vmem>>, vector<16xf32>,
    %swap3A_87 = vector.shape_cast %swap3A_86 : vector<16xf32> to vector<16xf32>
    %swap3A_88 = vector.shape_cast %broadcast_in_dim3A_84 : vector<16xf32> to vector<16xf32>
    tpu.vector_store %arg6[%swap3A_85], %swap3A_88 {strides = array<i32>} : memref<640xf32, #tpu.memory_space<vmem>>, vector<16xf32>,
    %broadcast_in_dim3A_89 = arith.constant 0.000000e+00 : f32
    %broadcast_in_dim3A_90 = vector.broadcast %broadcast_in_dim3A_89 : f32 to vector<16xf32>
    %swap3A_91 = arith.constant 112 : index
    %swap3A_92 = tpu.vector_load %arg6[%swap3A_91] {strides = array<i32>} : memref<640xf32, #tpu.memory_space<vmem>>, vector<16xf32>,
    %swap3A_93 = vector.shape_cast %swap3A_92 : vector<16xf32> to vector<16xf32>
    %swap3A_94 = vector.shape_cast %broadcast_in_dim3A_90 : vector<16xf32> to vector<16xf32>
    tpu.vector_store %arg6[%swap3A_91], %swap3A_94 {strides = array<i32>} : memref<640xf32, #tpu.memory_space<vmem>>, vector<16xf32>,
    %broadcast_in_dim3A_95 = arith.constant 0.000000e+00 : f32
    %broadcast_in_dim3A_96 = vector.broadcast %broadcast_in_dim3A_95 : f32 to vector<16xf32>
    %swap3A_97 = arith.constant 128 : index
    %swap3A_98 = tpu.vector_load %arg6[%swap3A_97] {strides = array<i32>} : memref<640xf32, #tpu.memory_space<vmem>>, vector<16xf32>,
    %swap3A_99 = vector.shape_cast %swap3A_98 : vector<16xf32> to vector<16xf32>
    %swap3A_100 = vector.shape_cast %broadcast_in_dim3A_96 : vector<16xf32> to vector<16xf32>
    tpu.vector_store %arg6[%swap3A_97], %swap3A_100 {strides = array<i32>} : memref<640xf32, #tpu.memory_space<vmem>>, vector<16xf32>,
    %broadcast_in_dim3A_101 = arith.constant 0.000000e+00 : f32
    %broadcast_in_dim3A_102 = vector.broadcast %broadcast_in_dim3A_101 : f32 to vector<16xf32>
    %swap3A_103 = arith.constant 144 : index
    %swap3A_104 = tpu.vector_load %arg6[%swap3A_103] {strides = array<i32>} : memref<640xf32, #tpu.memory_space<vmem>>, vector<16xf32>,
    %swap3A_105 = vector.shape_cast %swap3A_104 : vector<16xf32> to vector<16xf32>
    %swap3A_106 = vector.shape_cast %broadcast_in_dim3A_102 : vector<16xf32> to vector<16xf32>
    tpu.vector_store %arg6[%swap3A_103], %swap3A_106 {strides = array<i32>} : memref<640xf32, #tpu.memory_space<vmem>>, vector<16xf32>,
    %broadcast_in_dim3A_107 = arith.constant 0.000000e+00 : f32
    %broadcast_in_dim3A_108 = vector.broadcast %broadcast_in_dim3A_107 : f32 to vector<16xf32>
    %swap3A_109 = arith.constant 160 : index
    %swap3A_110 = tpu.vector_load %arg6[%swap3A_109] {strides = array<i32>} : memref<640xf32, #tpu.memory_space<vmem>>, vector<16xf32>,
    %swap3A_111 = vector.shape_cast %swap3A_110 : vector<16xf32> to vector<16xf32>
    %swap3A_112 = vector.shape_cast %broadcast_in_dim3A_108 : vector<16xf32> to vector<16xf32>
    tpu.vector_store %arg6[%swap3A_109], %swap3A_112 {strides = array<i32>} : memref<640xf32, #tpu.memory_space<vmem>>, vector<16xf32>,
    %broadcast_in_dim3A_113 = arith.constant 0.000000e+00 : f32
    %broadcast_in_dim3A_114 = vector.broadcast %broadcast_in_dim3A_113 : f32 to vector<16xf32>
    %swap3A_115 = arith.constant 176 : index
    %swap3A_116 = tpu.vector_load %arg6[%swap3A_115] {strides = array<i32>} : memref<640xf32, #tpu.memory_space<vmem>>, vector<16xf32>,
    %swap3A_117 = vector.shape_cast %swap3A_116 : vector<16xf32> to vector<16xf32>
    %swap3A_118 = vector.shape_cast %broadcast_in_dim3A_114 : vector<16xf32> to vector<16xf32>
    tpu.vector_store %arg6[%swap3A_115], %swap3A_118 {strides = array<i32>} : memref<640xf32, #tpu.memory_space<vmem>>, vector<16xf32>,
    %broadcast_in_dim3A_119 = arith.constant 0.000000e+00 : f32
    %broadcast_in_dim3A_120 = vector.broadcast %broadcast_in_dim3A_119 : f32 to vector<16xf32>
    %swap3A_121 = arith.constant 192 : index
    %swap3A_122 = tpu.vector_load %arg6[%swap3A_121] {strides = array<i32>} : memref<640xf32, #tpu.memory_space<vmem>>, vector<16xf32>,
    %swap3A_123 = vector.shape_cast %swap3A_122 : vector<16xf32> to vector<16xf32>
    %swap3A_124 = vector.shape_cast %broadcast_in_dim3A_120 : vector<16xf32> to vector<16xf32>
    tpu.vector_store %arg6[%swap3A_121], %swap3A_124 {strides = array<i32>} : memref<640xf32, #tpu.memory_space<vmem>>, vector<16xf32>,
    %broadcast_in_dim3A_125 = arith.constant 0.000000e+00 : f32
    %broadcast_in_dim3A_126 = vector.broadcast %broadcast_in_dim3A_125 : f32 to vector<16xf32>
    %swap3A_127 = arith.constant 208 : index
    %swap3A_128 = tpu.vector_load %arg6[%swap3A_127] {strides = array<i32>} : memref<640xf32, #tpu.memory_space<vmem>>, vector<16xf32>,
    %swap3A_129 = vector.shape_cast %swap3A_128 : vector<16xf32> to vector<16xf32>
    %swap3A_130 = vector.shape_cast %broadcast_in_dim3A_126 : vector<16xf32> to vector<16xf32>
    tpu.vector_store %arg6[%swap3A_127], %swap3A_130 {strides = array<i32>} : memref<640xf32, #tpu.memory_space<vmem>>, vector<16xf32>,
    %broadcast_in_dim3A_131 = arith.constant 0.000000e+00 : f32
    %broadcast_in_dim3A_132 = vector.broadcast %broadcast_in_dim3A_131 : f32 to vector<16xf32>
    %swap3A_133 = arith.constant 224 : index
    %swap3A_134 = tpu.vector_load %arg6[%swap3A_133] {strides = array<i32>} : memref<640xf32, #tpu.memory_space<vmem>>, vector<16xf32>,
    %swap3A_135 = vector.shape_cast %swap3A_134 : vector<16xf32> to vector<16xf32>
    %swap3A_136 = vector.shape_cast %broadcast_in_dim3A_132 : vector<16xf32> to vector<16xf32>
    tpu.vector_store %arg6[%swap3A_133], %swap3A_136 {strides = array<i32>} : memref<640xf32, #tpu.memory_space<vmem>>, vector<16xf32>,
    %broadcast_in_dim3A_137 = arith.constant 0.000000e+00 : f32
    %broadcast_in_dim3A_138 = vector.broadcast %broadcast_in_dim3A_137 : f32 to vector<16xf32>
    %swap3A_139 = arith.constant 240 : index
    %swap3A_140 = tpu.vector_load %arg6[%swap3A_139] {strides = array<i32>} : memref<640xf32, #tpu.memory_space<vmem>>, vector<16xf32>,
    %swap3A_141 = vector.shape_cast %swap3A_140 : vector<16xf32> to vector<16xf32>
    %swap3A_142 = vector.shape_cast %broadcast_in_dim3A_138 : vector<16xf32> to vector<16xf32>
    tpu.vector_store %arg6[%swap3A_139], %swap3A_142 {strides = array<i32>} : memref<640xf32, #tpu.memory_space<vmem>>, vector<16xf32>,
    %broadcast_in_dim3A_143 = arith.constant 0.000000e+00 : f32
    %broadcast_in_dim3A_144 = vector.broadcast %broadcast_in_dim3A_143 : f32 to vector<16xf32>
    %swap3A_145 = arith.constant 256 : index
    %swap3A_146 = tpu.vector_load %arg6[%swap3A_145] {strides = array<i32>} : memref<640xf32, #tpu.memory_space<vmem>>, vector<16xf32>,
    %swap3A_147 = vector.shape_cast %swap3A_146 : vector<16xf32> to vector<16xf32>
    %swap3A_148 = vector.shape_cast %broadcast_in_dim3A_144 : vector<16xf32> to vector<16xf32>
    tpu.vector_store %arg6[%swap3A_145], %swap3A_148 {strides = array<i32>} : memref<640xf32, #tpu.memory_space<vmem>>, vector<16xf32>,
    %broadcast_in_dim3A_149 = arith.constant 0.000000e+00 : f32
    %broadcast_in_dim3A_150 = vector.broadcast %broadcast_in_dim3A_149 : f32 to vector<16xf32>
    %swap3A_151 = arith.constant 272 : index
    %swap3A_152 = tpu.vector_load %arg6[%swap3A_151] {strides = array<i32>} : memref<640xf32, #tpu.memory_space<vmem>>, vector<16xf32>,
    %swap3A_153 = vector.shape_cast %swap3A_152 : vector<16xf32> to vector<16xf32>
    %swap3A_154 = vector.shape_cast %broadcast_in_dim3A_150 : vector<16xf32> to vector<16xf32>
    tpu.vector_store %arg6[%swap3A_151], %swap3A_154 {strides = array<i32>} : memref<640xf32, #tpu.memory_space<vmem>>, vector<16xf32>,
    %broadcast_in_dim3A_155 = arith.constant 0.000000e+00 : f32
    %broadcast_in_dim3A_156 = vector.broadcast %broadcast_in_dim3A_155 : f32 to vector<16xf32>
    %swap3A_157 = arith.constant 288 : index
    %swap3A_158 = tpu.vector_load %arg6[%swap3A_157] {strides = array<i32>} : memref<640xf32, #tpu.memory_space<vmem>>, vector<16xf32>,
    %swap3A_159 = vector.shape_cast %swap3A_158 : vector<16xf32> to vector<16xf32>
    %swap3A_160 = vector.shape_cast %broadcast_in_dim3A_156 : vector<16xf32> to vector<16xf32>
    tpu.vector_store %arg6[%swap3A_157], %swap3A_160 {strides = array<i32>} : memref<640xf32, #tpu.memory_space<vmem>>, vector<16xf32>,
    %broadcast_in_dim3A_161 = arith.constant 0.000000e+00 : f32
    %broadcast_in_dim3A_162 = vector.broadcast %broadcast_in_dim3A_161 : f32 to vector<16xf32>
    %swap3A_163 = arith.constant 304 : index
    %swap3A_164 = tpu.vector_load %arg6[%swap3A_163] {strides = array<i32>} : memref<640xf32, #tpu.memory_space<vmem>>, vector<16xf32>,
    %swap3A_165 = vector.shape_cast %swap3A_164 : vector<16xf32> to vector<16xf32>
    %swap3A_166 = vector.shape_cast %broadcast_in_dim3A_162 : vector<16xf32> to vector<16xf32>
    tpu.vector_store %arg6[%swap3A_163], %swap3A_166 {strides = array<i32>} : memref<640xf32, #tpu.memory_space<vmem>>, vector<16xf32>,
    %broadcast_in_dim3A_167 = arith.constant 0.000000e+00 : f32
    %broadcast_in_dim3A_168 = vector.broadcast %broadcast_in_dim3A_167 : f32 to vector<16xf32>
    %swap3A_169 = arith.constant 320 : index
    %swap3A_170 = tpu.vector_load %arg6[%swap3A_169] {strides = array<i32>} : memref<640xf32, #tpu.memory_space<vmem>>, vector<16xf32>,
    %swap3A_171 = vector.shape_cast %swap3A_170 : vector<16xf32> to vector<16xf32>
    %swap3A_172 = vector.shape_cast %broadcast_in_dim3A_168 : vector<16xf32> to vector<16xf32>
    tpu.vector_store %arg6[%swap3A_169], %swap3A_172 {strides = array<i32>} : memref<640xf32, #tpu.memory_space<vmem>>, vector<16xf32>,
    %broadcast_in_dim3A_173 = arith.constant 0.000000e+00 : f32
    %broadcast_in_dim3A_174 = vector.broadcast %broadcast_in_dim3A_173 : f32 to vector<16xf32>
    %swap3A_175 = arith.constant 336 : index
    %swap3A_176 = tpu.vector_load %arg6[%swap3A_175] {strides = array<i32>} : memref<640xf32, #tpu.memory_space<vmem>>, vector<16xf32>,
    %swap3A_177 = vector.shape_cast %swap3A_176 : vector<16xf32> to vector<16xf32>
    %swap3A_178 = vector.shape_cast %broadcast_in_dim3A_174 : vector<16xf32> to vector<16xf32>
    tpu.vector_store %arg6[%swap3A_175], %swap3A_178 {strides = array<i32>} : memref<640xf32, #tpu.memory_space<vmem>>, vector<16xf32>,
    %broadcast_in_dim3A_179 = arith.constant 0.000000e+00 : f32
    %broadcast_in_dim3A_180 = vector.broadcast %broadcast_in_dim3A_179 : f32 to vector<16xf32>
    %swap3A_181 = arith.constant 352 : index
    %swap3A_182 = tpu.vector_load %arg6[%swap3A_181] {strides = array<i32>} : memref<640xf32, #tpu.memory_space<vmem>>, vector<16xf32>,
    %swap3A_183 = vector.shape_cast %swap3A_182 : vector<16xf32> to vector<16xf32>
    %swap3A_184 = vector.shape_cast %broadcast_in_dim3A_180 : vector<16xf32> to vector<16xf32>
    tpu.vector_store %arg6[%swap3A_181], %swap3A_184 {strides = array<i32>} : memref<640xf32, #tpu.memory_space<vmem>>, vector<16xf32>,
    %broadcast_in_dim3A_185 = arith.constant 0.000000e+00 : f32
    %broadcast_in_dim3A_186 = vector.broadcast %broadcast_in_dim3A_185 : f32 to vector<16xf32>
    %swap3A_187 = arith.constant 368 : index
    %swap3A_188 = tpu.vector_load %arg6[%swap3A_187] {strides = array<i32>} : memref<640xf32, #tpu.memory_space<vmem>>, vector<16xf32>,
    %swap3A_189 = vector.shape_cast %swap3A_188 : vector<16xf32> to vector<16xf32>
    %swap3A_190 = vector.shape_cast %broadcast_in_dim3A_186 : vector<16xf32> to vector<16xf32>
    tpu.vector_store %arg6[%swap3A_187], %swap3A_190 {strides = array<i32>} : memref<640xf32, #tpu.memory_space<vmem>>, vector<16xf32>,
    %broadcast_in_dim3A_191 = arith.constant 0.000000e+00 : f32
    %broadcast_in_dim3A_192 = vector.broadcast %broadcast_in_dim3A_191 : f32 to vector<16xf32>
    %swap3A_193 = arith.constant 384 : index
    %swap3A_194 = tpu.vector_load %arg6[%swap3A_193] {strides = array<i32>} : memref<640xf32, #tpu.memory_space<vmem>>, vector<16xf32>,
    %swap3A_195 = vector.shape_cast %swap3A_194 : vector<16xf32> to vector<16xf32>
    %swap3A_196 = vector.shape_cast %broadcast_in_dim3A_192 : vector<16xf32> to vector<16xf32>
    tpu.vector_store %arg6[%swap3A_193], %swap3A_196 {strides = array<i32>} : memref<640xf32, #tpu.memory_space<vmem>>, vector<16xf32>,
    %broadcast_in_dim3A_197 = arith.constant 0.000000e+00 : f32
    %broadcast_in_dim3A_198 = vector.broadcast %broadcast_in_dim3A_197 : f32 to vector<16xf32>
    %swap3A_199 = arith.constant 400 : index
    %swap3A_200 = tpu.vector_load %arg6[%swap3A_199] {strides = array<i32>} : memref<640xf32, #tpu.memory_space<vmem>>, vector<16xf32>,
    %swap3A_201 = vector.shape_cast %swap3A_200 : vector<16xf32> to vector<16xf32>
    %swap3A_202 = vector.shape_cast %broadcast_in_dim3A_198 : vector<16xf32> to vector<16xf32>
    tpu.vector_store %arg6[%swap3A_199], %swap3A_202 {strides = array<i32>} : memref<640xf32, #tpu.memory_space<vmem>>, vector<16xf32>,
    %broadcast_in_dim3A_203 = arith.constant 0.000000e+00 : f32
    %broadcast_in_dim3A_204 = vector.broadcast %broadcast_in_dim3A_203 : f32 to vector<16xf32>
    %swap3A_205 = arith.constant 416 : index
    %swap3A_206 = tpu.vector_load %arg6[%swap3A_205] {strides = array<i32>} : memref<640xf32, #tpu.memory_space<vmem>>, vector<16xf32>,
    %swap3A_207 = vector.shape_cast %swap3A_206 : vector<16xf32> to vector<16xf32>
    %swap3A_208 = vector.shape_cast %broadcast_in_dim3A_204 : vector<16xf32> to vector<16xf32>
    tpu.vector_store %arg6[%swap3A_205], %swap3A_208 {strides = array<i32>} : memref<640xf32, #tpu.memory_space<vmem>>, vector<16xf32>,
    %broadcast_in_dim3A_209 = arith.constant 0.000000e+00 : f32
    %broadcast_in_dim3A_210 = vector.broadcast %broadcast_in_dim3A_209 : f32 to vector<16xf32>
    %swap3A_211 = arith.constant 432 : index
    %swap3A_212 = tpu.vector_load %arg6[%swap3A_211] {strides = array<i32>} : memref<640xf32, #tpu.memory_space<vmem>>, vector<16xf32>,
    %swap3A_213 = vector.shape_cast %swap3A_212 : vector<16xf32> to vector<16xf32>
    %swap3A_214 = vector.shape_cast %broadcast_in_dim3A_210 : vector<16xf32> to vector<16xf32>
    tpu.vector_store %arg6[%swap3A_211], %swap3A_214 {strides = array<i32>} : memref<640xf32, #tpu.memory_space<vmem>>, vector<16xf32>,
    %broadcast_in_dim3A_215 = arith.constant 0.000000e+00 : f32
    %broadcast_in_dim3A_216 = vector.broadcast %broadcast_in_dim3A_215 : f32 to vector<16xf32>
    %swap3A_217 = arith.constant 448 : index
    %swap3A_218 = tpu.vector_load %arg6[%swap3A_217] {strides = array<i32>} : memref<640xf32, #tpu.memory_space<vmem>>, vector<16xf32>,
    %swap3A_219 = vector.shape_cast %swap3A_218 : vector<16xf32> to vector<16xf32>
    %swap3A_220 = vector.shape_cast %broadcast_in_dim3A_216 : vector<16xf32> to vector<16xf32>
    tpu.vector_store %arg6[%swap3A_217], %swap3A_220 {strides = array<i32>} : memref<640xf32, #tpu.memory_space<vmem>>, vector<16xf32>,
    %broadcast_in_dim3A_221 = arith.constant 0.000000e+00 : f32
    %broadcast_in_dim3A_222 = vector.broadcast %broadcast_in_dim3A_221 : f32 to vector<16xf32>
    %swap3A_223 = arith.constant 464 : index
    %swap3A_224 = tpu.vector_load %arg6[%swap3A_223] {strides = array<i32>} : memref<640xf32, #tpu.memory_space<vmem>>, vector<16xf32>,
    %swap3A_225 = vector.shape_cast %swap3A_224 : vector<16xf32> to vector<16xf32>
    %swap3A_226 = vector.shape_cast %broadcast_in_dim3A_222 : vector<16xf32> to vector<16xf32>
    tpu.vector_store %arg6[%swap3A_223], %swap3A_226 {strides = array<i32>} : memref<640xf32, #tpu.memory_space<vmem>>, vector<16xf32>,
    %broadcast_in_dim3A_227 = arith.constant 0.000000e+00 : f32
    %broadcast_in_dim3A_228 = vector.broadcast %broadcast_in_dim3A_227 : f32 to vector<16xf32>
    %swap3A_229 = arith.constant 480 : index
    %swap3A_230 = tpu.vector_load %arg6[%swap3A_229] {strides = array<i32>} : memref<640xf32, #tpu.memory_space<vmem>>, vector<16xf32>,
    %swap3A_231 = vector.shape_cast %swap3A_230 : vector<16xf32> to vector<16xf32>
    %swap3A_232 = vector.shape_cast %broadcast_in_dim3A_228 : vector<16xf32> to vector<16xf32>
    tpu.vector_store %arg6[%swap3A_229], %swap3A_232 {strides = array<i32>} : memref<640xf32, #tpu.memory_space<vmem>>, vector<16xf32>,
    %broadcast_in_dim3A_233 = arith.constant 0.000000e+00 : f32
    %broadcast_in_dim3A_234 = vector.broadcast %broadcast_in_dim3A_233 : f32 to vector<16xf32>
    %swap3A_235 = arith.constant 496 : index
    %swap3A_236 = tpu.vector_load %arg6[%swap3A_235] {strides = array<i32>} : memref<640xf32, #tpu.memory_space<vmem>>, vector<16xf32>,
    %swap3A_237 = vector.shape_cast %swap3A_236 : vector<16xf32> to vector<16xf32>
    %swap3A_238 = vector.shape_cast %broadcast_in_dim3A_234 : vector<16xf32> to vector<16xf32>
    tpu.vector_store %arg6[%swap3A_235], %swap3A_238 {strides = array<i32>} : memref<640xf32, #tpu.memory_space<vmem>>, vector<16xf32>,
    %broadcast_in_dim3A_239 = arith.constant 0.000000e+00 : f32
    %broadcast_in_dim3A_240 = vector.broadcast %broadcast_in_dim3A_239 : f32 to vector<16xf32>
    %swap3A_241 = arith.constant 512 : index
    %swap3A_242 = tpu.vector_load %arg6[%swap3A_241] {strides = array<i32>} : memref<640xf32, #tpu.memory_space<vmem>>, vector<16xf32>,
    %swap3A_243 = vector.shape_cast %swap3A_242 : vector<16xf32> to vector<16xf32>
    %swap3A_244 = vector.shape_cast %broadcast_in_dim3A_240 : vector<16xf32> to vector<16xf32>
    tpu.vector_store %arg6[%swap3A_241], %swap3A_244 {strides = array<i32>} : memref<640xf32, #tpu.memory_space<vmem>>, vector<16xf32>,
    %broadcast_in_dim3A_245 = arith.constant 0.000000e+00 : f32
    %broadcast_in_dim3A_246 = vector.broadcast %broadcast_in_dim3A_245 : f32 to vector<16xf32>
    %swap3A_247 = arith.constant 528 : index
    %swap3A_248 = tpu.vector_load %arg6[%swap3A_247] {strides = array<i32>} : memref<640xf32, #tpu.memory_space<vmem>>, vector<16xf32>,
    %swap3A_249 = vector.shape_cast %swap3A_248 : vector<16xf32> to vector<16xf32>
    %swap3A_250 = vector.shape_cast %broadcast_in_dim3A_246 : vector<16xf32> to vector<16xf32>
    tpu.vector_store %arg6[%swap3A_247], %swap3A_250 {strides = array<i32>} : memref<640xf32, #tpu.memory_space<vmem>>, vector<16xf32>,
    %broadcast_in_dim3A_251 = arith.constant 0.000000e+00 : f32
    %broadcast_in_dim3A_252 = vector.broadcast %broadcast_in_dim3A_251 : f32 to vector<16xf32>
    %swap3A_253 = arith.constant 544 : index
    %swap3A_254 = tpu.vector_load %arg6[%swap3A_253] {strides = array<i32>} : memref<640xf32, #tpu.memory_space<vmem>>, vector<16xf32>,
    %swap3A_255 = vector.shape_cast %swap3A_254 : vector<16xf32> to vector<16xf32>
    %swap3A_256 = vector.shape_cast %broadcast_in_dim3A_252 : vector<16xf32> to vector<16xf32>
    tpu.vector_store %arg6[%swap3A_253], %swap3A_256 {strides = array<i32>} : memref<640xf32, #tpu.memory_space<vmem>>, vector<16xf32>,
    %broadcast_in_dim3A_257 = arith.constant 0.000000e+00 : f32
    %broadcast_in_dim3A_258 = vector.broadcast %broadcast_in_dim3A_257 : f32 to vector<16xf32>
    %swap3A_259 = arith.constant 560 : index
    %swap3A_260 = tpu.vector_load %arg6[%swap3A_259] {strides = array<i32>} : memref<640xf32, #tpu.memory_space<vmem>>, vector<16xf32>,
    %swap3A_261 = vector.shape_cast %swap3A_260 : vector<16xf32> to vector<16xf32>
    %swap3A_262 = vector.shape_cast %broadcast_in_dim3A_258 : vector<16xf32> to vector<16xf32>
    tpu.vector_store %arg6[%swap3A_259], %swap3A_262 {strides = array<i32>} : memref<640xf32, #tpu.memory_space<vmem>>, vector<16xf32>,
    %broadcast_in_dim3A_263 = arith.constant 0.000000e+00 : f32
    %broadcast_in_dim3A_264 = vector.broadcast %broadcast_in_dim3A_263 : f32 to vector<16xf32>
    %swap3A_265 = arith.constant 576 : index
    %swap3A_266 = tpu.vector_load %arg6[%swap3A_265] {strides = array<i32>} : memref<640xf32, #tpu.memory_space<vmem>>, vector<16xf32>,
    %swap3A_267 = vector.shape_cast %swap3A_266 : vector<16xf32> to vector<16xf32>
    %swap3A_268 = vector.shape_cast %broadcast_in_dim3A_264 : vector<16xf32> to vector<16xf32>
    tpu.vector_store %arg6[%swap3A_265], %swap3A_268 {strides = array<i32>} : memref<640xf32, #tpu.memory_space<vmem>>, vector<16xf32>,
    %broadcast_in_dim3A_269 = arith.constant 0.000000e+00 : f32
    %broadcast_in_dim3A_270 = vector.broadcast %broadcast_in_dim3A_269 : f32 to vector<16xf32>
    %swap3A_271 = arith.constant 592 : index
    %swap3A_272 = tpu.vector_load %arg6[%swap3A_271] {strides = array<i32>} : memref<640xf32, #tpu.memory_space<vmem>>, vector<16xf32>,
    %swap3A_273 = vector.shape_cast %swap3A_272 : vector<16xf32> to vector<16xf32>
    %swap3A_274 = vector.shape_cast %broadcast_in_dim3A_270 : vector<16xf32> to vector<16xf32>
    tpu.vector_store %arg6[%swap3A_271], %swap3A_274 {strides = array<i32>} : memref<640xf32, #tpu.memory_space<vmem>>, vector<16xf32>,
    %broadcast_in_dim3A_275 = arith.constant 0.000000e+00 : f32
    %broadcast_in_dim3A_276 = vector.broadcast %broadcast_in_dim3A_275 : f32 to vector<16xf32>
    %swap3A_277 = arith.constant 608 : index
    %swap3A_278 = tpu.vector_load %arg6[%swap3A_277] {strides = array<i32>} : memref<640xf32, #tpu.memory_space<vmem>>, vector<16xf32>,
    %swap3A_279 = vector.shape_cast %swap3A_278 : vector<16xf32> to vector<16xf32>
    %swap3A_280 = vector.shape_cast %broadcast_in_dim3A_276 : vector<16xf32> to vector<16xf32>
    tpu.vector_store %arg6[%swap3A_277], %swap3A_280 {strides = array<i32>} : memref<640xf32, #tpu.memory_space<vmem>>, vector<16xf32>,
    %broadcast_in_dim3A_281 = arith.constant 0.000000e+00 : f32
    %broadcast_in_dim3A_282 = vector.broadcast %broadcast_in_dim3A_281 : f32 to vector<16xf32>
    %swap3A_283 = arith.constant 624 : index
    %swap3A_284 = tpu.vector_load %arg6[%swap3A_283] {strides = array<i32>} : memref<640xf32, #tpu.memory_space<vmem>>, vector<16xf32>,
    %swap3A_285 = vector.shape_cast %swap3A_284 : vector<16xf32> to vector<16xf32>
    %swap3A_286 = vector.shape_cast %broadcast_in_dim3A_282 : vector<16xf32> to vector<16xf32>
    tpu.vector_store %arg6[%swap3A_283], %swap3A_286 {strides = array<i32>} : memref<640xf32, #tpu.memory_space<vmem>>, vector<16xf32>,
    %mul3A_287 = arith.constant 640 : i32
    %mul3A_288 = arith.muli %arg1, %mul3A_287 : i32
    "tpu.region"() ({
      %run_scoped3A = tpu.sem_alloc : memref<!tpu.dma_semaphore, #tpu.memory_space<semaphore_mem>>
      %dma_start3A = tpu.memref_slice %arg7[%mul3A_288] : memref<10240xf32, #tpu.memory_space<vmem_shared>> -> memref<640xf32, #tpu.memory_space<vmem_shared>>
      %dma_start3A_305 = tpu.memref_slice %arg7[%mul3A_288] : memref<10240xf32, #tpu.memory_space<vmem_shared>> -> memref<640xf32, #tpu.memory_space<vmem_shared>>
      tpu.enqueue_dma source(%arg6 : memref<640xf32, #tpu.memory_space<vmem>>) target(%dma_start3A_305 : memref<640xf32, #tpu.memory_space<vmem_shared>>) target_semaphore(%run_scoped3A : memref<!tpu.dma_semaphore, #tpu.memory_space<semaphore_mem>>)
      %dma_wait3A = tpu.memref_slice %arg7[%mul3A_288] : memref<10240xf32, #tpu.memory_space<vmem_shared>> -> memref<640xf32, #tpu.memory_space<vmem_shared>>
      %dma_wait3A_306 = tpu.memref_slice %arg7[%mul3A_288] : memref<10240xf32, #tpu.memory_space<vmem_shared>> -> memref<640xf32, #tpu.memory_space<vmem_shared>>
      tpu.wait_dma2 semaphore(%run_scoped3A : memref<!tpu.dma_semaphore, #tpu.memory_space<semaphore_mem>>) src(%arg6 : memref<640xf32, #tpu.memory_space<vmem>>) dst(%dma_wait3A_306 : memref<640xf32, #tpu.memory_space<vmem_shared>>)
      tpu.yield
    }) : () -> ()
    %mul3A_289 = arith.constant 82 : i32
    %mul3A_290 = arith.muli %add3A, %mul3A_289 : i32
    "tpu.region"() ({
      %run_scoped3A = tpu.sem_alloc : memref<!tpu.dma_semaphore, #tpu.memory_space<semaphore_mem>>
      %dma_start3A = arith.constant 0 : i32
      %dma_start3A_305 = tpu.memref_slice %arg2[%mul3A_290, %dma_start3A] : memref<2624x128xi32, #tpu.memory_space<hbm>> -> memref<82x128xi32, #tpu.memory_space<hbm>>
      %dma_start3A_306 = arith.constant 0 : i32
      %dma_start3A_307 = tpu.memref_slice %arg2[%mul3A_290, %dma_start3A_306] : memref<2624x128xi32, #tpu.memory_space<hbm>> -> memref<82x128xi32, #tpu.memory_space<hbm>>
      tpu.enqueue_dma source(%dma_start3A_307 : memref<82x128xi32, #tpu.memory_space<hbm>>) target(%arg4 : memref<82x128xi32, #tpu.memory_space<vmem>>) target_semaphore(%run_scoped3A : memref<!tpu.dma_semaphore, #tpu.memory_space<semaphore_mem>>)
      %dma_wait3A = arith.constant 0 : i32
      %dma_wait3A_308 = tpu.memref_slice %arg2[%mul3A_290, %dma_wait3A] : memref<2624x128xi32, #tpu.memory_space<hbm>> -> memref<82x128xi32, #tpu.memory_space<hbm>>
      %dma_wait3A_309 = arith.constant 0 : i32
      %dma_wait3A_310 = tpu.memref_slice %arg2[%mul3A_290, %dma_wait3A_309] : memref<2624x128xi32, #tpu.memory_space<hbm>> -> memref<82x128xi32, #tpu.memory_space<hbm>>
      tpu.wait_dma2 semaphore(%run_scoped3A : memref<!tpu.dma_semaphore, #tpu.memory_space<semaphore_mem>>) src(%dma_wait3A_310 : memref<82x128xi32, #tpu.memory_space<hbm>>) dst(%arg4 : memref<82x128xi32, #tpu.memory_space<vmem>>)
      tpu.yield
    }) : () -> ()
    %barrier3A = arith.constant 0 : index
    tpu.barrier barrier_id(%barrier3A)
    %scan3A = arith.constant 0 : i32
    %scan3A_291 = arith.constant 0 : i32
    %scan3A_292 = arith.constant 82 : i32
    %scan3A_293 = arith.addi %scan3A_291, %scan3A_292 : i32
    %scan3A_294 = arith.constant 1 : i32
    scf.for %scan3A_305 = %scan3A_291 to %scan3A_293 step %scan3A_294  : i32 {
      %dma_start3A = arith.constant 0 : i32
      %dma_start3A_306 = tpu.memref_slice %arg4[%scan3A_305, %dma_start3A] : memref<82x128xi32, #tpu.memory_space<vmem>> -> memref<1x128xi32, #tpu.memory_space<vmem>>
      %dma_start3A_307 = tpu.memref_squeeze %dma_start3A_306 : memref<1x128xi32, #tpu.memory_space<vmem>> -> memref<128xi32, #tpu.memory_space<vmem>>
      %dma_start3A_308 = arith.constant 0 : i32
      %dma_start3A_309 = tpu.memref_slice %arg7[%dma_start3A_308] : memref<10240xf32, #tpu.memory_space<vmem_shared>> -> memref<10240xf32, #tpu.memory_space<vmem_shared>>
      tpu.enqueue_indirect_dma source(%arg5 : memref<128xf32, #tpu.memory_space<vmem>>) target(%dma_start3A_309 : memref<10240xf32, #tpu.memory_space<vmem_shared>>) offsets(%dma_start3A_307 : memref<128xi32, #tpu.memory_space<vmem>>) semaphore(%arg8 : memref<!tpu.dma_semaphore, #tpu.memory_space<semaphore_mem>>) {add = true}
    }
    %scan3A_295 = arith.constant 82 : i32
    %scan3A_296 = arith.constant 0 : i32
    %scan3A_297 = arith.constant 0 : i32
    %scan3A_298 = arith.constant 82 : i32
    %scan3A_299 = arith.addi %scan3A_297, %scan3A_298 : i32
    %scan3A_300 = arith.constant 1 : i32
    scf.for %scan3A_305 = %scan3A_297 to %scan3A_299 step %scan3A_300  : i32 {
      %dma_wait3A = arith.constant 0 : i32
      %dma_wait3A_306 = tpu.memref_slice %arg4[%scan3A_305, %dma_wait3A] : memref<82x128xi32, #tpu.memory_space<vmem>> -> memref<1x128xi32, #tpu.memory_space<vmem>>
      %dma_wait3A_307 = tpu.memref_squeeze %dma_wait3A_306 : memref<1x128xi32, #tpu.memory_space<vmem>> -> memref<128xi32, #tpu.memory_space<vmem>>
      %dma_wait3A_308 = arith.constant 0 : i32
      %dma_wait3A_309 = tpu.memref_slice %arg7[%dma_wait3A_308] : memref<10240xf32, #tpu.memory_space<vmem_shared>> -> memref<10240xf32, #tpu.memory_space<vmem_shared>>
      tpu.wait_indirect_dma semaphore(%arg8 : memref<!tpu.dma_semaphore, #tpu.memory_space<semaphore_mem>>) src(%arg5 : memref<128xf32, #tpu.memory_space<vmem>>) dst(%dma_wait3A_309 : memref<10240xf32, #tpu.memory_space<vmem_shared>>)
    }
    %scan3A_301 = arith.constant 82 : i32
    %barrier3A_302 = arith.constant 0 : index
    tpu.barrier barrier_id(%barrier3A_302)
    %mul3A_303 = arith.constant 640 : i32
    %mul3A_304 = arith.muli %arg1, %mul3A_303 : i32
    "tpu.region"() ({
      %run_scoped3A = tpu.sem_alloc : memref<!tpu.dma_semaphore, #tpu.memory_space<semaphore_mem>>
      %dma_start3A = tpu.memref_slice %arg3[%arg0, %mul3A_304] : memref<2x10240xf32, #tpu.memory_space<hbm>> -> memref<1x640xf32, #tpu.memory_space<hbm>>
      %dma_start3A_305 = tpu.memref_squeeze %dma_start3A : memref<1x640xf32, #tpu.memory_space<hbm>> -> memref<640xf32, #tpu.memory_space<hbm>>
      %dma_start3A_306 = tpu.memref_slice %arg7[%mul3A_304] : memref<10240xf32, #tpu.memory_space<vmem_shared>> -> memref<640xf32, #tpu.memory_space<vmem_shared>>
      tpu.enqueue_dma source(%dma_start3A_306 : memref<640xf32, #tpu.memory_space<vmem_shared>>) target(%dma_start3A_305 : memref<640xf32, #tpu.memory_space<hbm>>) target_semaphore(%run_scoped3A : memref<!tpu.dma_semaphore, #tpu.memory_space<semaphore_mem>>)
      %dma_wait3A = tpu.memref_slice %arg3[%arg0, %mul3A_304] : memref<2x10240xf32, #tpu.memory_space<hbm>> -> memref<1x640xf32, #tpu.memory_space<hbm>>
      %dma_wait3A_307 = tpu.memref_squeeze %dma_wait3A : memref<1x640xf32, #tpu.memory_space<hbm>> -> memref<640xf32, #tpu.memory_space<hbm>>
      %dma_wait3A_308 = tpu.memref_slice %arg7[%mul3A_304] : memref<10240xf32, #tpu.memory_space<vmem_shared>> -> memref<640xf32, #tpu.memory_space<vmem_shared>>
      tpu.wait_dma2 semaphore(%run_scoped3A : memref<!tpu.dma_semaphore, #tpu.memory_space<semaphore_mem>>) src(%dma_wait3A_308 : memref<640xf32, #tpu.memory_space<vmem_shared>>) dst(%dma_wait3A_307 : memref<640xf32, #tpu.memory_space<hbm>>)
      tpu.yield
    }) : () -> ()
    return
  }
}

#map = affine_map<(d0, d1) -> (0, 0)>
#map1 = affine_map<(d0, d1) -> (0, 0, 0)>
module attributes {stable_mosaic.version = 14 : i64} {
  func.func @_agg_kernel(%arg0: i32, %arg1: i32, %arg2: memref<2624x128xi32, #tpu.memory_space<hbm>>, %arg3: memref<2624x128xi32, #tpu.memory_space<hbm>>, %arg4: memref<10240x128xbf16, #tpu.memory_space<hbm>>, %arg5: memref<2x10240x128xbf16, #tpu.memory_space<hbm>>, %arg6: memref<82x128xi32, #tpu.memory_space<vmem>>, %arg7: memref<82x128xi32, #tpu.memory_space<vmem>>, %arg8: memref<128x128xbf16, #tpu.memory_space<vmem>>, %arg9: memref<128x128xbf16, #tpu.memory_space<vmem>>, %arg10: memref<8x128xbf16, #tpu.memory_space<vmem>>, %arg11: memref<10240x128xbf16, #tpu.memory_space<vmem_shared>>, %arg12: memref<!tpu.dma_semaphore, #tpu.memory_space<semaphore_mem>>, %arg13: memref<!tpu.dma_semaphore, #tpu.memory_space<semaphore_mem>>) attributes {dimension_semantics = [#tpu.dimension_semantics<core_parallel>, #tpu.dimension_semantics<subcore_parallel>], iteration_bounds = array<i64: 2, 16>, scalar_prefetch = 0 : i64, scratch_operands = 8 : i64, tpu.core_type = #tpu.core_type<sc_vector_subcore>, window_params = [{transform_indices = #map}, {transform_indices = #map}, {transform_indices = #map}, {transform_indices = #map1}]} {
    %mul3A = arith.constant 16 : i32
    %mul3A_0 = arith.muli %arg0, %mul3A : i32
    %add3A = arith.addi %mul3A_0, %arg1 : i32
    %broadcast_in_dim3A = arith.constant 0.000000e+00 : bf16
    %broadcast_in_dim3A_1 = vector.broadcast %broadcast_in_dim3A : bf16 to vector<32xbf16>
    %swap3A = arith.constant 0 : i32
    %swap3A_2 = arith.index_cast %swap3A : i32 to index
    %swap3A_3 = arith.constant 0 : index
    %swap3A_4 = tpu.vector_load %arg10[%swap3A_2, %swap3A_3] {strides = array<i32>} : memref<8x128xbf16, #tpu.memory_space<vmem>>, vector<1x32xbf16>,
    %swap3A_5 = vector.shape_cast %swap3A_4 : vector<1x32xbf16> to vector<32xbf16>
    %swap3A_6 = vector.shape_cast %broadcast_in_dim3A_1 : vector<32xbf16> to vector<1x32xbf16>
    tpu.vector_store %arg10[%swap3A_2, %swap3A_3], %swap3A_6 {strides = array<i32>} : memref<8x128xbf16, #tpu.memory_space<vmem>>, vector<1x32xbf16>,
    %broadcast_in_dim3A_7 = arith.constant 0.000000e+00 : bf16
    %broadcast_in_dim3A_8 = vector.broadcast %broadcast_in_dim3A_7 : bf16 to vector<32xbf16>
    %swap3A_9 = arith.constant 0 : i32
    %swap3A_10 = arith.index_cast %swap3A_9 : i32 to index
    %swap3A_11 = arith.constant 32 : index
    %swap3A_12 = tpu.vector_load %arg10[%swap3A_10, %swap3A_11] {strides = array<i32>} : memref<8x128xbf16, #tpu.memory_space<vmem>>, vector<1x32xbf16>,
    %swap3A_13 = vector.shape_cast %swap3A_12 : vector<1x32xbf16> to vector<32xbf16>
    %swap3A_14 = vector.shape_cast %broadcast_in_dim3A_8 : vector<32xbf16> to vector<1x32xbf16>
    tpu.vector_store %arg10[%swap3A_10, %swap3A_11], %swap3A_14 {strides = array<i32>} : memref<8x128xbf16, #tpu.memory_space<vmem>>, vector<1x32xbf16>,
    %broadcast_in_dim3A_15 = arith.constant 0.000000e+00 : bf16
    %broadcast_in_dim3A_16 = vector.broadcast %broadcast_in_dim3A_15 : bf16 to vector<32xbf16>
    %swap3A_17 = arith.constant 0 : i32
    %swap3A_18 = arith.index_cast %swap3A_17 : i32 to index
    %swap3A_19 = arith.constant 64 : index
    %swap3A_20 = tpu.vector_load %arg10[%swap3A_18, %swap3A_19] {strides = array<i32>} : memref<8x128xbf16, #tpu.memory_space<vmem>>, vector<1x32xbf16>,
    %swap3A_21 = vector.shape_cast %swap3A_20 : vector<1x32xbf16> to vector<32xbf16>
    %swap3A_22 = vector.shape_cast %broadcast_in_dim3A_16 : vector<32xbf16> to vector<1x32xbf16>
    tpu.vector_store %arg10[%swap3A_18, %swap3A_19], %swap3A_22 {strides = array<i32>} : memref<8x128xbf16, #tpu.memory_space<vmem>>, vector<1x32xbf16>,
    %broadcast_in_dim3A_23 = arith.constant 0.000000e+00 : bf16
    %broadcast_in_dim3A_24 = vector.broadcast %broadcast_in_dim3A_23 : bf16 to vector<32xbf16>
    %swap3A_25 = arith.constant 0 : i32
    %swap3A_26 = arith.index_cast %swap3A_25 : i32 to index
    %swap3A_27 = arith.constant 96 : index
    %swap3A_28 = tpu.vector_load %arg10[%swap3A_26, %swap3A_27] {strides = array<i32>} : memref<8x128xbf16, #tpu.memory_space<vmem>>, vector<1x32xbf16>,
    %swap3A_29 = vector.shape_cast %swap3A_28 : vector<1x32xbf16> to vector<32xbf16>
    %swap3A_30 = vector.shape_cast %broadcast_in_dim3A_24 : vector<32xbf16> to vector<1x32xbf16>
    tpu.vector_store %arg10[%swap3A_26, %swap3A_27], %swap3A_30 {strides = array<i32>} : memref<8x128xbf16, #tpu.memory_space<vmem>>, vector<1x32xbf16>,
    %broadcast_in_dim3A_31 = arith.constant 0.000000e+00 : bf16
    %broadcast_in_dim3A_32 = vector.broadcast %broadcast_in_dim3A_31 : bf16 to vector<32xbf16>
    %swap3A_33 = arith.constant 1 : i32
    %swap3A_34 = arith.index_cast %swap3A_33 : i32 to index
    %swap3A_35 = arith.constant 0 : index
    %swap3A_36 = tpu.vector_load %arg10[%swap3A_34, %swap3A_35] {strides = array<i32>} : memref<8x128xbf16, #tpu.memory_space<vmem>>, vector<1x32xbf16>,
    %swap3A_37 = vector.shape_cast %swap3A_36 : vector<1x32xbf16> to vector<32xbf16>
    %swap3A_38 = vector.shape_cast %broadcast_in_dim3A_32 : vector<32xbf16> to vector<1x32xbf16>
    tpu.vector_store %arg10[%swap3A_34, %swap3A_35], %swap3A_38 {strides = array<i32>} : memref<8x128xbf16, #tpu.memory_space<vmem>>, vector<1x32xbf16>,
    %broadcast_in_dim3A_39 = arith.constant 0.000000e+00 : bf16
    %broadcast_in_dim3A_40 = vector.broadcast %broadcast_in_dim3A_39 : bf16 to vector<32xbf16>
    %swap3A_41 = arith.constant 1 : i32
    %swap3A_42 = arith.index_cast %swap3A_41 : i32 to index
    %swap3A_43 = arith.constant 32 : index
    %swap3A_44 = tpu.vector_load %arg10[%swap3A_42, %swap3A_43] {strides = array<i32>} : memref<8x128xbf16, #tpu.memory_space<vmem>>, vector<1x32xbf16>,
    %swap3A_45 = vector.shape_cast %swap3A_44 : vector<1x32xbf16> to vector<32xbf16>
    %swap3A_46 = vector.shape_cast %broadcast_in_dim3A_40 : vector<32xbf16> to vector<1x32xbf16>
    tpu.vector_store %arg10[%swap3A_42, %swap3A_43], %swap3A_46 {strides = array<i32>} : memref<8x128xbf16, #tpu.memory_space<vmem>>, vector<1x32xbf16>,
    %broadcast_in_dim3A_47 = arith.constant 0.000000e+00 : bf16
    %broadcast_in_dim3A_48 = vector.broadcast %broadcast_in_dim3A_47 : bf16 to vector<32xbf16>
    %swap3A_49 = arith.constant 1 : i32
    %swap3A_50 = arith.index_cast %swap3A_49 : i32 to index
    %swap3A_51 = arith.constant 64 : index
    %swap3A_52 = tpu.vector_load %arg10[%swap3A_50, %swap3A_51] {strides = array<i32>} : memref<8x128xbf16, #tpu.memory_space<vmem>>, vector<1x32xbf16>,
    %swap3A_53 = vector.shape_cast %swap3A_52 : vector<1x32xbf16> to vector<32xbf16>
    %swap3A_54 = vector.shape_cast %broadcast_in_dim3A_48 : vector<32xbf16> to vector<1x32xbf16>
    tpu.vector_store %arg10[%swap3A_50, %swap3A_51], %swap3A_54 {strides = array<i32>} : memref<8x128xbf16, #tpu.memory_space<vmem>>, vector<1x32xbf16>,
    %broadcast_in_dim3A_55 = arith.constant 0.000000e+00 : bf16
    %broadcast_in_dim3A_56 = vector.broadcast %broadcast_in_dim3A_55 : bf16 to vector<32xbf16>
    %swap3A_57 = arith.constant 1 : i32
    %swap3A_58 = arith.index_cast %swap3A_57 : i32 to index
    %swap3A_59 = arith.constant 96 : index
    %swap3A_60 = tpu.vector_load %arg10[%swap3A_58, %swap3A_59] {strides = array<i32>} : memref<8x128xbf16, #tpu.memory_space<vmem>>, vector<1x32xbf16>,
    %swap3A_61 = vector.shape_cast %swap3A_60 : vector<1x32xbf16> to vector<32xbf16>
    %swap3A_62 = vector.shape_cast %broadcast_in_dim3A_56 : vector<32xbf16> to vector<1x32xbf16>
    tpu.vector_store %arg10[%swap3A_58, %swap3A_59], %swap3A_62 {strides = array<i32>} : memref<8x128xbf16, #tpu.memory_space<vmem>>, vector<1x32xbf16>,
    %broadcast_in_dim3A_63 = arith.constant 0.000000e+00 : bf16
    %broadcast_in_dim3A_64 = vector.broadcast %broadcast_in_dim3A_63 : bf16 to vector<32xbf16>
    %swap3A_65 = arith.constant 2 : i32
    %swap3A_66 = arith.index_cast %swap3A_65 : i32 to index
    %swap3A_67 = arith.constant 0 : index
    %swap3A_68 = tpu.vector_load %arg10[%swap3A_66, %swap3A_67] {strides = array<i32>} : memref<8x128xbf16, #tpu.memory_space<vmem>>, vector<1x32xbf16>,
    %swap3A_69 = vector.shape_cast %swap3A_68 : vector<1x32xbf16> to vector<32xbf16>
    %swap3A_70 = vector.shape_cast %broadcast_in_dim3A_64 : vector<32xbf16> to vector<1x32xbf16>
    tpu.vector_store %arg10[%swap3A_66, %swap3A_67], %swap3A_70 {strides = array<i32>} : memref<8x128xbf16, #tpu.memory_space<vmem>>, vector<1x32xbf16>,
    %broadcast_in_dim3A_71 = arith.constant 0.000000e+00 : bf16
    %broadcast_in_dim3A_72 = vector.broadcast %broadcast_in_dim3A_71 : bf16 to vector<32xbf16>
    %swap3A_73 = arith.constant 2 : i32
    %swap3A_74 = arith.index_cast %swap3A_73 : i32 to index
    %swap3A_75 = arith.constant 32 : index
    %swap3A_76 = tpu.vector_load %arg10[%swap3A_74, %swap3A_75] {strides = array<i32>} : memref<8x128xbf16, #tpu.memory_space<vmem>>, vector<1x32xbf16>,
    %swap3A_77 = vector.shape_cast %swap3A_76 : vector<1x32xbf16> to vector<32xbf16>
    %swap3A_78 = vector.shape_cast %broadcast_in_dim3A_72 : vector<32xbf16> to vector<1x32xbf16>
    tpu.vector_store %arg10[%swap3A_74, %swap3A_75], %swap3A_78 {strides = array<i32>} : memref<8x128xbf16, #tpu.memory_space<vmem>>, vector<1x32xbf16>,
    %broadcast_in_dim3A_79 = arith.constant 0.000000e+00 : bf16
    %broadcast_in_dim3A_80 = vector.broadcast %broadcast_in_dim3A_79 : bf16 to vector<32xbf16>
    %swap3A_81 = arith.constant 2 : i32
    %swap3A_82 = arith.index_cast %swap3A_81 : i32 to index
    %swap3A_83 = arith.constant 64 : index
    %swap3A_84 = tpu.vector_load %arg10[%swap3A_82, %swap3A_83] {strides = array<i32>} : memref<8x128xbf16, #tpu.memory_space<vmem>>, vector<1x32xbf16>,
    %swap3A_85 = vector.shape_cast %swap3A_84 : vector<1x32xbf16> to vector<32xbf16>
    %swap3A_86 = vector.shape_cast %broadcast_in_dim3A_80 : vector<32xbf16> to vector<1x32xbf16>
    tpu.vector_store %arg10[%swap3A_82, %swap3A_83], %swap3A_86 {strides = array<i32>} : memref<8x128xbf16, #tpu.memory_space<vmem>>, vector<1x32xbf16>,
    %broadcast_in_dim3A_87 = arith.constant 0.000000e+00 : bf16
    %broadcast_in_dim3A_88 = vector.broadcast %broadcast_in_dim3A_87 : bf16 to vector<32xbf16>
    %swap3A_89 = arith.constant 2 : i32
    %swap3A_90 = arith.index_cast %swap3A_89 : i32 to index
    %swap3A_91 = arith.constant 96 : index
    %swap3A_92 = tpu.vector_load %arg10[%swap3A_90, %swap3A_91] {strides = array<i32>} : memref<8x128xbf16, #tpu.memory_space<vmem>>, vector<1x32xbf16>,
    %swap3A_93 = vector.shape_cast %swap3A_92 : vector<1x32xbf16> to vector<32xbf16>
    %swap3A_94 = vector.shape_cast %broadcast_in_dim3A_88 : vector<32xbf16> to vector<1x32xbf16>
    tpu.vector_store %arg10[%swap3A_90, %swap3A_91], %swap3A_94 {strides = array<i32>} : memref<8x128xbf16, #tpu.memory_space<vmem>>, vector<1x32xbf16>,
    %broadcast_in_dim3A_95 = arith.constant 0.000000e+00 : bf16
    %broadcast_in_dim3A_96 = vector.broadcast %broadcast_in_dim3A_95 : bf16 to vector<32xbf16>
    %swap3A_97 = arith.constant 3 : i32
    %swap3A_98 = arith.index_cast %swap3A_97 : i32 to index
    %swap3A_99 = arith.constant 0 : index
    %swap3A_100 = tpu.vector_load %arg10[%swap3A_98, %swap3A_99] {strides = array<i32>} : memref<8x128xbf16, #tpu.memory_space<vmem>>, vector<1x32xbf16>,
    %swap3A_101 = vector.shape_cast %swap3A_100 : vector<1x32xbf16> to vector<32xbf16>
    %swap3A_102 = vector.shape_cast %broadcast_in_dim3A_96 : vector<32xbf16> to vector<1x32xbf16>
    tpu.vector_store %arg10[%swap3A_98, %swap3A_99], %swap3A_102 {strides = array<i32>} : memref<8x128xbf16, #tpu.memory_space<vmem>>, vector<1x32xbf16>,
    %broadcast_in_dim3A_103 = arith.constant 0.000000e+00 : bf16
    %broadcast_in_dim3A_104 = vector.broadcast %broadcast_in_dim3A_103 : bf16 to vector<32xbf16>
    %swap3A_105 = arith.constant 3 : i32
    %swap3A_106 = arith.index_cast %swap3A_105 : i32 to index
    %swap3A_107 = arith.constant 32 : index
    %swap3A_108 = tpu.vector_load %arg10[%swap3A_106, %swap3A_107] {strides = array<i32>} : memref<8x128xbf16, #tpu.memory_space<vmem>>, vector<1x32xbf16>,
    %swap3A_109 = vector.shape_cast %swap3A_108 : vector<1x32xbf16> to vector<32xbf16>
    %swap3A_110 = vector.shape_cast %broadcast_in_dim3A_104 : vector<32xbf16> to vector<1x32xbf16>
    tpu.vector_store %arg10[%swap3A_106, %swap3A_107], %swap3A_110 {strides = array<i32>} : memref<8x128xbf16, #tpu.memory_space<vmem>>, vector<1x32xbf16>,
    %broadcast_in_dim3A_111 = arith.constant 0.000000e+00 : bf16
    %broadcast_in_dim3A_112 = vector.broadcast %broadcast_in_dim3A_111 : bf16 to vector<32xbf16>
    %swap3A_113 = arith.constant 3 : i32
    %swap3A_114 = arith.index_cast %swap3A_113 : i32 to index
    %swap3A_115 = arith.constant 64 : index
    %swap3A_116 = tpu.vector_load %arg10[%swap3A_114, %swap3A_115] {strides = array<i32>} : memref<8x128xbf16, #tpu.memory_space<vmem>>, vector<1x32xbf16>,
    %swap3A_117 = vector.shape_cast %swap3A_116 : vector<1x32xbf16> to vector<32xbf16>
    %swap3A_118 = vector.shape_cast %broadcast_in_dim3A_112 : vector<32xbf16> to vector<1x32xbf16>
    tpu.vector_store %arg10[%swap3A_114, %swap3A_115], %swap3A_118 {strides = array<i32>} : memref<8x128xbf16, #tpu.memory_space<vmem>>, vector<1x32xbf16>,
    %broadcast_in_dim3A_119 = arith.constant 0.000000e+00 : bf16
    %broadcast_in_dim3A_120 = vector.broadcast %broadcast_in_dim3A_119 : bf16 to vector<32xbf16>
    %swap3A_121 = arith.constant 3 : i32
    %swap3A_122 = arith.index_cast %swap3A_121 : i32 to index
    %swap3A_123 = arith.constant 96 : index
    %swap3A_124 = tpu.vector_load %arg10[%swap3A_122, %swap3A_123] {strides = array<i32>} : memref<8x128xbf16, #tpu.memory_space<vmem>>, vector<1x32xbf16>,
    %swap3A_125 = vector.shape_cast %swap3A_124 : vector<1x32xbf16> to vector<32xbf16>
    %swap3A_126 = vector.shape_cast %broadcast_in_dim3A_120 : vector<32xbf16> to vector<1x32xbf16>
    tpu.vector_store %arg10[%swap3A_122, %swap3A_123], %swap3A_126 {strides = array<i32>} : memref<8x128xbf16, #tpu.memory_space<vmem>>, vector<1x32xbf16>,
    %broadcast_in_dim3A_127 = arith.constant 0.000000e+00 : bf16
    %broadcast_in_dim3A_128 = vector.broadcast %broadcast_in_dim3A_127 : bf16 to vector<32xbf16>
    %swap3A_129 = arith.constant 4 : i32
    %swap3A_130 = arith.index_cast %swap3A_129 : i32 to index
    %swap3A_131 = arith.constant 0 : index
    %swap3A_132 = tpu.vector_load %arg10[%swap3A_130, %swap3A_131] {strides = array<i32>} : memref<8x128xbf16, #tpu.memory_space<vmem>>, vector<1x32xbf16>,
    %swap3A_133 = vector.shape_cast %swap3A_132 : vector<1x32xbf16> to vector<32xbf16>
    %swap3A_134 = vector.shape_cast %broadcast_in_dim3A_128 : vector<32xbf16> to vector<1x32xbf16>
    tpu.vector_store %arg10[%swap3A_130, %swap3A_131], %swap3A_134 {strides = array<i32>} : memref<8x128xbf16, #tpu.memory_space<vmem>>, vector<1x32xbf16>,
    %broadcast_in_dim3A_135 = arith.constant 0.000000e+00 : bf16
    %broadcast_in_dim3A_136 = vector.broadcast %broadcast_in_dim3A_135 : bf16 to vector<32xbf16>
    %swap3A_137 = arith.constant 4 : i32
    %swap3A_138 = arith.index_cast %swap3A_137 : i32 to index
    %swap3A_139 = arith.constant 32 : index
    %swap3A_140 = tpu.vector_load %arg10[%swap3A_138, %swap3A_139] {strides = array<i32>} : memref<8x128xbf16, #tpu.memory_space<vmem>>, vector<1x32xbf16>,
    %swap3A_141 = vector.shape_cast %swap3A_140 : vector<1x32xbf16> to vector<32xbf16>
    %swap3A_142 = vector.shape_cast %broadcast_in_dim3A_136 : vector<32xbf16> to vector<1x32xbf16>
    tpu.vector_store %arg10[%swap3A_138, %swap3A_139], %swap3A_142 {strides = array<i32>} : memref<8x128xbf16, #tpu.memory_space<vmem>>, vector<1x32xbf16>,
    %broadcast_in_dim3A_143 = arith.constant 0.000000e+00 : bf16
    %broadcast_in_dim3A_144 = vector.broadcast %broadcast_in_dim3A_143 : bf16 to vector<32xbf16>
    %swap3A_145 = arith.constant 4 : i32
    %swap3A_146 = arith.index_cast %swap3A_145 : i32 to index
    %swap3A_147 = arith.constant 64 : index
    %swap3A_148 = tpu.vector_load %arg10[%swap3A_146, %swap3A_147] {strides = array<i32>} : memref<8x128xbf16, #tpu.memory_space<vmem>>, vector<1x32xbf16>,
    %swap3A_149 = vector.shape_cast %swap3A_148 : vector<1x32xbf16> to vector<32xbf16>
    %swap3A_150 = vector.shape_cast %broadcast_in_dim3A_144 : vector<32xbf16> to vector<1x32xbf16>
    tpu.vector_store %arg10[%swap3A_146, %swap3A_147], %swap3A_150 {strides = array<i32>} : memref<8x128xbf16, #tpu.memory_space<vmem>>, vector<1x32xbf16>,
    %broadcast_in_dim3A_151 = arith.constant 0.000000e+00 : bf16
    %broadcast_in_dim3A_152 = vector.broadcast %broadcast_in_dim3A_151 : bf16 to vector<32xbf16>
    %swap3A_153 = arith.constant 4 : i32
    %swap3A_154 = arith.index_cast %swap3A_153 : i32 to index
    %swap3A_155 = arith.constant 96 : index
    %swap3A_156 = tpu.vector_load %arg10[%swap3A_154, %swap3A_155] {strides = array<i32>} : memref<8x128xbf16, #tpu.memory_space<vmem>>, vector<1x32xbf16>,
    %swap3A_157 = vector.shape_cast %swap3A_156 : vector<1x32xbf16> to vector<32xbf16>
    %swap3A_158 = vector.shape_cast %broadcast_in_dim3A_152 : vector<32xbf16> to vector<1x32xbf16>
    tpu.vector_store %arg10[%swap3A_154, %swap3A_155], %swap3A_158 {strides = array<i32>} : memref<8x128xbf16, #tpu.memory_space<vmem>>, vector<1x32xbf16>,
    %broadcast_in_dim3A_159 = arith.constant 0.000000e+00 : bf16
    %broadcast_in_dim3A_160 = vector.broadcast %broadcast_in_dim3A_159 : bf16 to vector<32xbf16>
    %swap3A_161 = arith.constant 5 : i32
    %swap3A_162 = arith.index_cast %swap3A_161 : i32 to index
    %swap3A_163 = arith.constant 0 : index
    %swap3A_164 = tpu.vector_load %arg10[%swap3A_162, %swap3A_163] {strides = array<i32>} : memref<8x128xbf16, #tpu.memory_space<vmem>>, vector<1x32xbf16>,
    %swap3A_165 = vector.shape_cast %swap3A_164 : vector<1x32xbf16> to vector<32xbf16>
    %swap3A_166 = vector.shape_cast %broadcast_in_dim3A_160 : vector<32xbf16> to vector<1x32xbf16>
    tpu.vector_store %arg10[%swap3A_162, %swap3A_163], %swap3A_166 {strides = array<i32>} : memref<8x128xbf16, #tpu.memory_space<vmem>>, vector<1x32xbf16>,
    %broadcast_in_dim3A_167 = arith.constant 0.000000e+00 : bf16
    %broadcast_in_dim3A_168 = vector.broadcast %broadcast_in_dim3A_167 : bf16 to vector<32xbf16>
    %swap3A_169 = arith.constant 5 : i32
    %swap3A_170 = arith.index_cast %swap3A_169 : i32 to index
    %swap3A_171 = arith.constant 32 : index
    %swap3A_172 = tpu.vector_load %arg10[%swap3A_170, %swap3A_171] {strides = array<i32>} : memref<8x128xbf16, #tpu.memory_space<vmem>>, vector<1x32xbf16>,
    %swap3A_173 = vector.shape_cast %swap3A_172 : vector<1x32xbf16> to vector<32xbf16>
    %swap3A_174 = vector.shape_cast %broadcast_in_dim3A_168 : vector<32xbf16> to vector<1x32xbf16>
    tpu.vector_store %arg10[%swap3A_170, %swap3A_171], %swap3A_174 {strides = array<i32>} : memref<8x128xbf16, #tpu.memory_space<vmem>>, vector<1x32xbf16>,
    %broadcast_in_dim3A_175 = arith.constant 0.000000e+00 : bf16
    %broadcast_in_dim3A_176 = vector.broadcast %broadcast_in_dim3A_175 : bf16 to vector<32xbf16>
    %swap3A_177 = arith.constant 5 : i32
    %swap3A_178 = arith.index_cast %swap3A_177 : i32 to index
    %swap3A_179 = arith.constant 64 : index
    %swap3A_180 = tpu.vector_load %arg10[%swap3A_178, %swap3A_179] {strides = array<i32>} : memref<8x128xbf16, #tpu.memory_space<vmem>>, vector<1x32xbf16>,
    %swap3A_181 = vector.shape_cast %swap3A_180 : vector<1x32xbf16> to vector<32xbf16>
    %swap3A_182 = vector.shape_cast %broadcast_in_dim3A_176 : vector<32xbf16> to vector<1x32xbf16>
    tpu.vector_store %arg10[%swap3A_178, %swap3A_179], %swap3A_182 {strides = array<i32>} : memref<8x128xbf16, #tpu.memory_space<vmem>>, vector<1x32xbf16>,
    %broadcast_in_dim3A_183 = arith.constant 0.000000e+00 : bf16
    %broadcast_in_dim3A_184 = vector.broadcast %broadcast_in_dim3A_183 : bf16 to vector<32xbf16>
    %swap3A_185 = arith.constant 5 : i32
    %swap3A_186 = arith.index_cast %swap3A_185 : i32 to index
    %swap3A_187 = arith.constant 96 : index
    %swap3A_188 = tpu.vector_load %arg10[%swap3A_186, %swap3A_187] {strides = array<i32>} : memref<8x128xbf16, #tpu.memory_space<vmem>>, vector<1x32xbf16>,
    %swap3A_189 = vector.shape_cast %swap3A_188 : vector<1x32xbf16> to vector<32xbf16>
    %swap3A_190 = vector.shape_cast %broadcast_in_dim3A_184 : vector<32xbf16> to vector<1x32xbf16>
    tpu.vector_store %arg10[%swap3A_186, %swap3A_187], %swap3A_190 {strides = array<i32>} : memref<8x128xbf16, #tpu.memory_space<vmem>>, vector<1x32xbf16>,
    %broadcast_in_dim3A_191 = arith.constant 0.000000e+00 : bf16
    %broadcast_in_dim3A_192 = vector.broadcast %broadcast_in_dim3A_191 : bf16 to vector<32xbf16>
    %swap3A_193 = arith.constant 6 : i32
    %swap3A_194 = arith.index_cast %swap3A_193 : i32 to index
    %swap3A_195 = arith.constant 0 : index
    %swap3A_196 = tpu.vector_load %arg10[%swap3A_194, %swap3A_195] {strides = array<i32>} : memref<8x128xbf16, #tpu.memory_space<vmem>>, vector<1x32xbf16>,
    %swap3A_197 = vector.shape_cast %swap3A_196 : vector<1x32xbf16> to vector<32xbf16>
    %swap3A_198 = vector.shape_cast %broadcast_in_dim3A_192 : vector<32xbf16> to vector<1x32xbf16>
    tpu.vector_store %arg10[%swap3A_194, %swap3A_195], %swap3A_198 {strides = array<i32>} : memref<8x128xbf16, #tpu.memory_space<vmem>>, vector<1x32xbf16>,
    %broadcast_in_dim3A_199 = arith.constant 0.000000e+00 : bf16
    %broadcast_in_dim3A_200 = vector.broadcast %broadcast_in_dim3A_199 : bf16 to vector<32xbf16>
    %swap3A_201 = arith.constant 6 : i32
    %swap3A_202 = arith.index_cast %swap3A_201 : i32 to index
    %swap3A_203 = arith.constant 32 : index
    %swap3A_204 = tpu.vector_load %arg10[%swap3A_202, %swap3A_203] {strides = array<i32>} : memref<8x128xbf16, #tpu.memory_space<vmem>>, vector<1x32xbf16>,
    %swap3A_205 = vector.shape_cast %swap3A_204 : vector<1x32xbf16> to vector<32xbf16>
    %swap3A_206 = vector.shape_cast %broadcast_in_dim3A_200 : vector<32xbf16> to vector<1x32xbf16>
    tpu.vector_store %arg10[%swap3A_202, %swap3A_203], %swap3A_206 {strides = array<i32>} : memref<8x128xbf16, #tpu.memory_space<vmem>>, vector<1x32xbf16>,
    %broadcast_in_dim3A_207 = arith.constant 0.000000e+00 : bf16
    %broadcast_in_dim3A_208 = vector.broadcast %broadcast_in_dim3A_207 : bf16 to vector<32xbf16>
    %swap3A_209 = arith.constant 6 : i32
    %swap3A_210 = arith.index_cast %swap3A_209 : i32 to index
    %swap3A_211 = arith.constant 64 : index
    %swap3A_212 = tpu.vector_load %arg10[%swap3A_210, %swap3A_211] {strides = array<i32>} : memref<8x128xbf16, #tpu.memory_space<vmem>>, vector<1x32xbf16>,
    %swap3A_213 = vector.shape_cast %swap3A_212 : vector<1x32xbf16> to vector<32xbf16>
    %swap3A_214 = vector.shape_cast %broadcast_in_dim3A_208 : vector<32xbf16> to vector<1x32xbf16>
    tpu.vector_store %arg10[%swap3A_210, %swap3A_211], %swap3A_214 {strides = array<i32>} : memref<8x128xbf16, #tpu.memory_space<vmem>>, vector<1x32xbf16>,
    %broadcast_in_dim3A_215 = arith.constant 0.000000e+00 : bf16
    %broadcast_in_dim3A_216 = vector.broadcast %broadcast_in_dim3A_215 : bf16 to vector<32xbf16>
    %swap3A_217 = arith.constant 6 : i32
    %swap3A_218 = arith.index_cast %swap3A_217 : i32 to index
    %swap3A_219 = arith.constant 96 : index
    %swap3A_220 = tpu.vector_load %arg10[%swap3A_218, %swap3A_219] {strides = array<i32>} : memref<8x128xbf16, #tpu.memory_space<vmem>>, vector<1x32xbf16>,
    %swap3A_221 = vector.shape_cast %swap3A_220 : vector<1x32xbf16> to vector<32xbf16>
    %swap3A_222 = vector.shape_cast %broadcast_in_dim3A_216 : vector<32xbf16> to vector<1x32xbf16>
    tpu.vector_store %arg10[%swap3A_218, %swap3A_219], %swap3A_222 {strides = array<i32>} : memref<8x128xbf16, #tpu.memory_space<vmem>>, vector<1x32xbf16>,
    %broadcast_in_dim3A_223 = arith.constant 0.000000e+00 : bf16
    %broadcast_in_dim3A_224 = vector.broadcast %broadcast_in_dim3A_223 : bf16 to vector<32xbf16>
    %swap3A_225 = arith.constant 7 : i32
    %swap3A_226 = arith.index_cast %swap3A_225 : i32 to index
    %swap3A_227 = arith.constant 0 : index
    %swap3A_228 = tpu.vector_load %arg10[%swap3A_226, %swap3A_227] {strides = array<i32>} : memref<8x128xbf16, #tpu.memory_space<vmem>>, vector<1x32xbf16>,
    %swap3A_229 = vector.shape_cast %swap3A_228 : vector<1x32xbf16> to vector<32xbf16>
    %swap3A_230 = vector.shape_cast %broadcast_in_dim3A_224 : vector<32xbf16> to vector<1x32xbf16>
    tpu.vector_store %arg10[%swap3A_226, %swap3A_227], %swap3A_230 {strides = array<i32>} : memref<8x128xbf16, #tpu.memory_space<vmem>>, vector<1x32xbf16>,
    %broadcast_in_dim3A_231 = arith.constant 0.000000e+00 : bf16
    %broadcast_in_dim3A_232 = vector.broadcast %broadcast_in_dim3A_231 : bf16 to vector<32xbf16>
    %swap3A_233 = arith.constant 7 : i32
    %swap3A_234 = arith.index_cast %swap3A_233 : i32 to index
    %swap3A_235 = arith.constant 32 : index
    %swap3A_236 = tpu.vector_load %arg10[%swap3A_234, %swap3A_235] {strides = array<i32>} : memref<8x128xbf16, #tpu.memory_space<vmem>>, vector<1x32xbf16>,
    %swap3A_237 = vector.shape_cast %swap3A_236 : vector<1x32xbf16> to vector<32xbf16>
    %swap3A_238 = vector.shape_cast %broadcast_in_dim3A_232 : vector<32xbf16> to vector<1x32xbf16>
    tpu.vector_store %arg10[%swap3A_234, %swap3A_235], %swap3A_238 {strides = array<i32>} : memref<8x128xbf16, #tpu.memory_space<vmem>>, vector<1x32xbf16>,
    %broadcast_in_dim3A_239 = arith.constant 0.000000e+00 : bf16
    %broadcast_in_dim3A_240 = vector.broadcast %broadcast_in_dim3A_239 : bf16 to vector<32xbf16>
    %swap3A_241 = arith.constant 7 : i32
    %swap3A_242 = arith.index_cast %swap3A_241 : i32 to index
    %swap3A_243 = arith.constant 64 : index
    %swap3A_244 = tpu.vector_load %arg10[%swap3A_242, %swap3A_243] {strides = array<i32>} : memref<8x128xbf16, #tpu.memory_space<vmem>>, vector<1x32xbf16>,
    %swap3A_245 = vector.shape_cast %swap3A_244 : vector<1x32xbf16> to vector<32xbf16>
    %swap3A_246 = vector.shape_cast %broadcast_in_dim3A_240 : vector<32xbf16> to vector<1x32xbf16>
    tpu.vector_store %arg10[%swap3A_242, %swap3A_243], %swap3A_246 {strides = array<i32>} : memref<8x128xbf16, #tpu.memory_space<vmem>>, vector<1x32xbf16>,
    %broadcast_in_dim3A_247 = arith.constant 0.000000e+00 : bf16
    %broadcast_in_dim3A_248 = vector.broadcast %broadcast_in_dim3A_247 : bf16 to vector<32xbf16>
    %swap3A_249 = arith.constant 7 : i32
    %swap3A_250 = arith.index_cast %swap3A_249 : i32 to index
    %swap3A_251 = arith.constant 96 : index
    %swap3A_252 = tpu.vector_load %arg10[%swap3A_250, %swap3A_251] {strides = array<i32>} : memref<8x128xbf16, #tpu.memory_space<vmem>>, vector<1x32xbf16>,
    %swap3A_253 = vector.shape_cast %swap3A_252 : vector<1x32xbf16> to vector<32xbf16>
    %swap3A_254 = vector.shape_cast %broadcast_in_dim3A_248 : vector<32xbf16> to vector<1x32xbf16>
    tpu.vector_store %arg10[%swap3A_250, %swap3A_251], %swap3A_254 {strides = array<i32>} : memref<8x128xbf16, #tpu.memory_space<vmem>>, vector<1x32xbf16>,
    %scan3A = arith.constant 0 : i32
    %scan3A_255 = arith.constant 0 : i32
    %scan3A_256 = arith.constant 80 : i32
    %scan3A_257 = arith.addi %scan3A_255, %scan3A_256 : i32
    %scan3A_258 = arith.constant 1 : i32
    scf.for %scan3A_304 = %scan3A_255 to %scan3A_257 step %scan3A_258  : i32 {
      %mul3A_305 = arith.constant 640 : i32
      %mul3A_306 = arith.muli %arg1, %mul3A_305 : i32
      %mul3A_307 = arith.constant 8 : i32
      %mul3A_308 = arith.muli %scan3A_304, %mul3A_307 : i32
      %add3A_309 = arith.addi %mul3A_306, %mul3A_308 : i32
      %dma_start3A_310 = arith.constant 0 : i32
      %dma_start3A_311 = tpu.memref_slice %arg11[%add3A_309, %dma_start3A_310] : memref<10240x128xbf16, #tpu.memory_space<vmem_shared>> -> memref<8x128xbf16, #tpu.memory_space<vmem_shared>>
      %dma_start3A_312 = arith.constant 0 : i32
      %dma_start3A_313 = tpu.memref_slice %arg11[%add3A_309, %dma_start3A_312] : memref<10240x128xbf16, #tpu.memory_space<vmem_shared>> -> memref<8x128xbf16, #tpu.memory_space<vmem_shared>>
      tpu.enqueue_dma source(%arg10 : memref<8x128xbf16, #tpu.memory_space<vmem>>) target(%dma_start3A_313 : memref<8x128xbf16, #tpu.memory_space<vmem_shared>>) target_semaphore(%arg12 : memref<!tpu.dma_semaphore, #tpu.memory_space<semaphore_mem>>)
    }
    %scan3A_259 = arith.constant 80 : i32
    %mul3A_260 = arith.constant 82 : i32
    %mul3A_261 = arith.muli %add3A, %mul3A_260 : i32
    %dma_start3A = arith.constant 0 : i32
    %dma_start3A_262 = tpu.memref_slice %arg2[%mul3A_261, %dma_start3A] : memref<2624x128xi32, #tpu.memory_space<hbm>> -> memref<82x128xi32, #tpu.memory_space<hbm>>
    %dma_start3A_263 = arith.constant 0 : i32
    %dma_start3A_264 = tpu.memref_slice %arg2[%mul3A_261, %dma_start3A_263] : memref<2624x128xi32, #tpu.memory_space<hbm>> -> memref<82x128xi32, #tpu.memory_space<hbm>>
    tpu.enqueue_dma source(%dma_start3A_264 : memref<82x128xi32, #tpu.memory_space<hbm>>) target(%arg6 : memref<82x128xi32, #tpu.memory_space<vmem>>) target_semaphore(%arg13 : memref<!tpu.dma_semaphore, #tpu.memory_space<semaphore_mem>>)
    %mul3A_265 = arith.constant 82 : i32
    %mul3A_266 = arith.muli %add3A, %mul3A_265 : i32
    %dma_start3A_267 = arith.constant 0 : i32
    %dma_start3A_268 = tpu.memref_slice %arg3[%mul3A_266, %dma_start3A_267] : memref<2624x128xi32, #tpu.memory_space<hbm>> -> memref<82x128xi32, #tpu.memory_space<hbm>>
    %dma_start3A_269 = arith.constant 0 : i32
    %dma_start3A_270 = tpu.memref_slice %arg3[%mul3A_266, %dma_start3A_269] : memref<2624x128xi32, #tpu.memory_space<hbm>> -> memref<82x128xi32, #tpu.memory_space<hbm>>
    tpu.enqueue_dma source(%dma_start3A_270 : memref<82x128xi32, #tpu.memory_space<hbm>>) target(%arg7 : memref<82x128xi32, #tpu.memory_space<vmem>>) target_semaphore(%arg13 : memref<!tpu.dma_semaphore, #tpu.memory_space<semaphore_mem>>)
    %scan3A_271 = arith.constant 0 : i32
    %scan3A_272 = arith.constant 0 : i32
    %scan3A_273 = arith.constant 80 : i32
    %scan3A_274 = arith.addi %scan3A_272, %scan3A_273 : i32
    %scan3A_275 = arith.constant 1 : i32
    scf.for %scan3A_304 = %scan3A_272 to %scan3A_274 step %scan3A_275  : i32 {
      %mul3A_305 = arith.constant 640 : i32
      %mul3A_306 = arith.muli %arg1, %mul3A_305 : i32
      %mul3A_307 = arith.constant 8 : i32
      %mul3A_308 = arith.muli %scan3A_304, %mul3A_307 : i32
      %add3A_309 = arith.addi %mul3A_306, %mul3A_308 : i32
      %dma_wait3A_310 = arith.constant 0 : i32
      %dma_wait3A_311 = tpu.memref_slice %arg11[%add3A_309, %dma_wait3A_310] : memref<10240x128xbf16, #tpu.memory_space<vmem_shared>> -> memref<8x128xbf16, #tpu.memory_space<vmem_shared>>
      %dma_wait3A_312 = arith.constant 0 : i32
      %dma_wait3A_313 = tpu.memref_slice %arg11[%add3A_309, %dma_wait3A_312] : memref<10240x128xbf16, #tpu.memory_space<vmem_shared>> -> memref<8x128xbf16, #tpu.memory_space<vmem_shared>>
      tpu.wait_dma2 semaphore(%arg12 : memref<!tpu.dma_semaphore, #tpu.memory_space<semaphore_mem>>) src(%arg10 : memref<8x128xbf16, #tpu.memory_space<vmem>>) dst(%dma_wait3A_313 : memref<8x128xbf16, #tpu.memory_space<vmem_shared>>)
    }
    %scan3A_276 = arith.constant 80 : i32
    %mul3A_277 = arith.constant 82 : i32
    %mul3A_278 = arith.muli %add3A, %mul3A_277 : i32
    %dma_wait3A = arith.constant 0 : i32
    %dma_wait3A_279 = tpu.memref_slice %arg2[%mul3A_278, %dma_wait3A] : memref<2624x128xi32, #tpu.memory_space<hbm>> -> memref<82x128xi32, #tpu.memory_space<hbm>>
    %dma_wait3A_280 = arith.constant 0 : i32
    %dma_wait3A_281 = tpu.memref_slice %arg2[%mul3A_278, %dma_wait3A_280] : memref<2624x128xi32, #tpu.memory_space<hbm>> -> memref<82x128xi32, #tpu.memory_space<hbm>>
    tpu.wait_dma2 semaphore(%arg13 : memref<!tpu.dma_semaphore, #tpu.memory_space<semaphore_mem>>) src(%dma_wait3A_281 : memref<82x128xi32, #tpu.memory_space<hbm>>) dst(%arg6 : memref<82x128xi32, #tpu.memory_space<vmem>>)
    %mul3A_282 = arith.constant 82 : i32
    %mul3A_283 = arith.muli %add3A, %mul3A_282 : i32
    %dma_wait3A_284 = arith.constant 0 : i32
    %dma_wait3A_285 = tpu.memref_slice %arg3[%mul3A_283, %dma_wait3A_284] : memref<2624x128xi32, #tpu.memory_space<hbm>> -> memref<82x128xi32, #tpu.memory_space<hbm>>
    %dma_wait3A_286 = arith.constant 0 : i32
    %dma_wait3A_287 = tpu.memref_slice %arg3[%mul3A_283, %dma_wait3A_286] : memref<2624x128xi32, #tpu.memory_space<hbm>> -> memref<82x128xi32, #tpu.memory_space<hbm>>
    tpu.wait_dma2 semaphore(%arg13 : memref<!tpu.dma_semaphore, #tpu.memory_space<semaphore_mem>>) src(%dma_wait3A_287 : memref<82x128xi32, #tpu.memory_space<hbm>>) dst(%arg7 : memref<82x128xi32, #tpu.memory_space<vmem>>)
    %barrier3A = arith.constant 0 : index
    tpu.barrier barrier_id(%barrier3A)
    %dma_start3A_288 = arith.constant 0 : i32
    %dma_start3A_289 = arith.constant 0 : i32
    %dma_start3A_290 = tpu.memref_slice %arg6[%dma_start3A_288, %dma_start3A_289] : memref<82x128xi32, #tpu.memory_space<vmem>> -> memref<1x128xi32, #tpu.memory_space<vmem>>
    %dma_start3A_291 = tpu.memref_squeeze %dma_start3A_290 : memref<1x128xi32, #tpu.memory_space<vmem>> -> memref<128xi32, #tpu.memory_space<vmem>>
    %dma_start3A_292 = arith.constant 0 : i32
    %dma_start3A_293 = arith.constant 0 : i32
    %dma_start3A_294 = tpu.memref_slice %arg4[%dma_start3A_292, %dma_start3A_293] : memref<10240x128xbf16, #tpu.memory_space<hbm>> -> memref<10240x128xbf16, #tpu.memory_space<hbm>>
    tpu.enqueue_indirect_dma source(%dma_start3A_294 : memref<10240x128xbf16, #tpu.memory_space<hbm>>) target(%arg8 : memref<128x128xbf16, #tpu.memory_space<vmem>>) offsets(%dma_start3A_291 : memref<128xi32, #tpu.memory_space<vmem>>) semaphore(%arg12 : memref<!tpu.dma_semaphore, #tpu.memory_space<semaphore_mem>>)
    %scan3A_295 = arith.constant 0 : i32
    %scan3A_296 = arith.constant 0 : i32
    %scan3A_297 = arith.constant 41 : i32
    %scan3A_298 = arith.addi %scan3A_296, %scan3A_297 : i32
    %scan3A_299 = arith.constant 1 : i32
    scf.for %scan3A_304 = %scan3A_296 to %scan3A_298 step %scan3A_299  : i32 {
      %mul3A_305 = arith.constant 2 : i32
      %mul3A_306 = arith.muli %mul3A_305, %scan3A_304 : i32
      %add3A_307 = arith.constant 1 : i32
      %add3A_308 = arith.addi %mul3A_306, %add3A_307 : i32
      %add3A_309 = arith.constant 2 : i32
      %add3A_310 = arith.addi %mul3A_306, %add3A_309 : i32
      %dma_start3A_311 = arith.constant 0 : i32
      %dma_start3A_312 = tpu.memref_slice %arg6[%add3A_308, %dma_start3A_311] : memref<82x128xi32, #tpu.memory_space<vmem>> -> memref<1x128xi32, #tpu.memory_space<vmem>>
      %dma_start3A_313 = tpu.memref_squeeze %dma_start3A_312 : memref<1x128xi32, #tpu.memory_space<vmem>> -> memref<128xi32, #tpu.memory_space<vmem>>
      %dma_start3A_314 = arith.constant 0 : i32
      %dma_start3A_315 = arith.constant 0 : i32
      %dma_start3A_316 = tpu.memref_slice %arg4[%dma_start3A_314, %dma_start3A_315] : memref<10240x128xbf16, #tpu.memory_space<hbm>> -> memref<10240x128xbf16, #tpu.memory_space<hbm>>
      tpu.enqueue_indirect_dma source(%dma_start3A_316 : memref<10240x128xbf16, #tpu.memory_space<hbm>>) target(%arg9 : memref<128x128xbf16, #tpu.memory_space<vmem>>) offsets(%dma_start3A_313 : memref<128xi32, #tpu.memory_space<vmem>>) semaphore(%arg13 : memref<!tpu.dma_semaphore, #tpu.memory_space<semaphore_mem>>)
      %dma_wait3A_317 = arith.constant 0 : i32
      %dma_wait3A_318 = tpu.memref_slice %arg6[%mul3A_306, %dma_wait3A_317] : memref<82x128xi32, #tpu.memory_space<vmem>> -> memref<1x128xi32, #tpu.memory_space<vmem>>
      %dma_wait3A_319 = tpu.memref_squeeze %dma_wait3A_318 : memref<1x128xi32, #tpu.memory_space<vmem>> -> memref<128xi32, #tpu.memory_space<vmem>>
      %dma_wait3A_320 = arith.constant 0 : i32
      %dma_wait3A_321 = arith.constant 0 : i32
      %dma_wait3A_322 = tpu.memref_slice %arg4[%dma_wait3A_320, %dma_wait3A_321] : memref<10240x128xbf16, #tpu.memory_space<hbm>> -> memref<10240x128xbf16, #tpu.memory_space<hbm>>
      tpu.wait_indirect_dma semaphore(%arg12 : memref<!tpu.dma_semaphore, #tpu.memory_space<semaphore_mem>>) src(%dma_wait3A_322 : memref<10240x128xbf16, #tpu.memory_space<hbm>>) dst(%arg8 : memref<128x128xbf16, #tpu.memory_space<vmem>>)
      "tpu.region"() ({
        %run_scoped3A = tpu.sem_alloc : memref<!tpu.dma_semaphore, #tpu.memory_space<semaphore_mem>>
        %dma_start3A_331 = arith.constant 0 : i32
        %dma_start3A_332 = tpu.memref_slice %arg7[%mul3A_306, %dma_start3A_331] : memref<82x128xi32, #tpu.memory_space<vmem>> -> memref<1x128xi32, #tpu.memory_space<vmem>>
        %dma_start3A_333 = tpu.memref_squeeze %dma_start3A_332 : memref<1x128xi32, #tpu.memory_space<vmem>> -> memref<128xi32, #tpu.memory_space<vmem>>
        %dma_start3A_334 = arith.constant 0 : i32
        %dma_start3A_335 = arith.constant 0 : i32
        %dma_start3A_336 = tpu.memref_slice %arg11[%dma_start3A_334, %dma_start3A_335] : memref<10240x128xbf16, #tpu.memory_space<vmem_shared>> -> memref<10240x128xbf16, #tpu.memory_space<vmem_shared>>
        tpu.enqueue_indirect_dma source(%arg8 : memref<128x128xbf16, #tpu.memory_space<vmem>>) target(%dma_start3A_336 : memref<10240x128xbf16, #tpu.memory_space<vmem_shared>>) offsets(%dma_start3A_333 : memref<128xi32, #tpu.memory_space<vmem>>) semaphore(%run_scoped3A : memref<!tpu.dma_semaphore, #tpu.memory_space<semaphore_mem>>) {add = true}
        %dma_wait3A_337 = arith.constant 0 : i32
        %dma_wait3A_338 = tpu.memref_slice %arg7[%mul3A_306, %dma_wait3A_337] : memref<82x128xi32, #tpu.memory_space<vmem>> -> memref<1x128xi32, #tpu.memory_space<vmem>>
        %dma_wait3A_339 = tpu.memref_squeeze %dma_wait3A_338 : memref<1x128xi32, #tpu.memory_space<vmem>> -> memref<128xi32, #tpu.memory_space<vmem>>
        %dma_wait3A_340 = arith.constant 0 : i32
        %dma_wait3A_341 = arith.constant 0 : i32
        %dma_wait3A_342 = tpu.memref_slice %arg11[%dma_wait3A_340, %dma_wait3A_341] : memref<10240x128xbf16, #tpu.memory_space<vmem_shared>> -> memref<10240x128xbf16, #tpu.memory_space<vmem_shared>>
        tpu.wait_indirect_dma semaphore(%run_scoped3A : memref<!tpu.dma_semaphore, #tpu.memory_space<semaphore_mem>>) src(%arg8 : memref<128x128xbf16, #tpu.memory_space<vmem>>) dst(%dma_wait3A_342 : memref<10240x128xbf16, #tpu.memory_space<vmem_shared>>)
        tpu.yield
      }) : () -> ()
      %lt3A = arith.constant 82 : i32
      %lt3A_323 = arith.cmpi slt, %add3A_310, %lt3A : i32
      %convert_element_type3A = arith.extui %lt3A_323 : i1 to i32
      %cond3A = arith.constant 0 : i32
      %cond3A_324 = arith.cmpi ne, %convert_element_type3A, %cond3A : i32
      scf.if %cond3A_324 {
        %dma_start3A_331 = arith.constant 0 : i32
        %dma_start3A_332 = tpu.memref_slice %arg6[%add3A_310, %dma_start3A_331] : memref<82x128xi32, #tpu.memory_space<vmem>> -> memref<1x128xi32, #tpu.memory_space<vmem>>
        %dma_start3A_333 = tpu.memref_squeeze %dma_start3A_332 : memref<1x128xi32, #tpu.memory_space<vmem>> -> memref<128xi32, #tpu.memory_space<vmem>>
        %dma_start3A_334 = arith.constant 0 : i32
        %dma_start3A_335 = arith.constant 0 : i32
        %dma_start3A_336 = tpu.memref_slice %arg4[%dma_start3A_334, %dma_start3A_335] : memref<10240x128xbf16, #tpu.memory_space<hbm>> -> memref<10240x128xbf16, #tpu.memory_space<hbm>>
        tpu.enqueue_indirect_dma source(%dma_start3A_336 : memref<10240x128xbf16, #tpu.memory_space<hbm>>) target(%arg8 : memref<128x128xbf16, #tpu.memory_space<vmem>>) offsets(%dma_start3A_333 : memref<128xi32, #tpu.memory_space<vmem>>) semaphore(%arg12 : memref<!tpu.dma_semaphore, #tpu.memory_space<semaphore_mem>>)
      } else {
      }
      %dma_wait3A_325 = arith.constant 0 : i32
      %dma_wait3A_326 = tpu.memref_slice %arg6[%add3A_308, %dma_wait3A_325] : memref<82x128xi32, #tpu.memory_space<vmem>> -> memref<1x128xi32, #tpu.memory_space<vmem>>
      %dma_wait3A_327 = tpu.memref_squeeze %dma_wait3A_326 : memref<1x128xi32, #tpu.memory_space<vmem>> -> memref<128xi32, #tpu.memory_space<vmem>>
      %dma_wait3A_328 = arith.constant 0 : i32
      %dma_wait3A_329 = arith.constant 0 : i32
      %dma_wait3A_330 = tpu.memref_slice %arg4[%dma_wait3A_328, %dma_wait3A_329] : memref<10240x128xbf16, #tpu.memory_space<hbm>> -> memref<10240x128xbf16, #tpu.memory_space<hbm>>
      tpu.wait_indirect_dma semaphore(%arg13 : memref<!tpu.dma_semaphore, #tpu.memory_space<semaphore_mem>>) src(%dma_wait3A_330 : memref<10240x128xbf16, #tpu.memory_space<hbm>>) dst(%arg9 : memref<128x128xbf16, #tpu.memory_space<vmem>>)
      "tpu.region"() ({
        %run_scoped3A = tpu.sem_alloc : memref<!tpu.dma_semaphore, #tpu.memory_space<semaphore_mem>>
        %dma_start3A_331 = arith.constant 0 : i32
        %dma_start3A_332 = tpu.memref_slice %arg7[%add3A_308, %dma_start3A_331] : memref<82x128xi32, #tpu.memory_space<vmem>> -> memref<1x128xi32, #tpu.memory_space<vmem>>
        %dma_start3A_333 = tpu.memref_squeeze %dma_start3A_332 : memref<1x128xi32, #tpu.memory_space<vmem>> -> memref<128xi32, #tpu.memory_space<vmem>>
        %dma_start3A_334 = arith.constant 0 : i32
        %dma_start3A_335 = arith.constant 0 : i32
        %dma_start3A_336 = tpu.memref_slice %arg11[%dma_start3A_334, %dma_start3A_335] : memref<10240x128xbf16, #tpu.memory_space<vmem_shared>> -> memref<10240x128xbf16, #tpu.memory_space<vmem_shared>>
        tpu.enqueue_indirect_dma source(%arg9 : memref<128x128xbf16, #tpu.memory_space<vmem>>) target(%dma_start3A_336 : memref<10240x128xbf16, #tpu.memory_space<vmem_shared>>) offsets(%dma_start3A_333 : memref<128xi32, #tpu.memory_space<vmem>>) semaphore(%run_scoped3A : memref<!tpu.dma_semaphore, #tpu.memory_space<semaphore_mem>>) {add = true}
        %dma_wait3A_337 = arith.constant 0 : i32
        %dma_wait3A_338 = tpu.memref_slice %arg7[%add3A_308, %dma_wait3A_337] : memref<82x128xi32, #tpu.memory_space<vmem>> -> memref<1x128xi32, #tpu.memory_space<vmem>>
        %dma_wait3A_339 = tpu.memref_squeeze %dma_wait3A_338 : memref<1x128xi32, #tpu.memory_space<vmem>> -> memref<128xi32, #tpu.memory_space<vmem>>
        %dma_wait3A_340 = arith.constant 0 : i32
        %dma_wait3A_341 = arith.constant 0 : i32
        %dma_wait3A_342 = tpu.memref_slice %arg11[%dma_wait3A_340, %dma_wait3A_341] : memref<10240x128xbf16, #tpu.memory_space<vmem_shared>> -> memref<10240x128xbf16, #tpu.memory_space<vmem_shared>>
        tpu.wait_indirect_dma semaphore(%run_scoped3A : memref<!tpu.dma_semaphore, #tpu.memory_space<semaphore_mem>>) src(%arg9 : memref<128x128xbf16, #tpu.memory_space<vmem>>) dst(%dma_wait3A_342 : memref<10240x128xbf16, #tpu.memory_space<vmem_shared>>)
        tpu.yield
      }) : () -> ()
    }
    %scan3A_300 = arith.constant 41 : i32
    %barrier3A_301 = arith.constant 0 : index
    tpu.barrier barrier_id(%barrier3A_301)
    %mul3A_302 = arith.constant 640 : i32
    %mul3A_303 = arith.muli %arg1, %mul3A_302 : i32
    "tpu.region"() ({
      %run_scoped3A = tpu.sem_alloc : memref<!tpu.dma_semaphore, #tpu.memory_space<semaphore_mem>>
      %dma_start3A_304 = arith.constant 0 : i32
      %dma_start3A_305 = tpu.memref_slice %arg5[%arg0, %mul3A_303, %dma_start3A_304] : memref<2x10240x128xbf16, #tpu.memory_space<hbm>> -> memref<1x640x128xbf16, #tpu.memory_space<hbm>>
      %dma_start3A_306 = tpu.memref_squeeze %dma_start3A_305 : memref<1x640x128xbf16, #tpu.memory_space<hbm>> -> memref<640x128xbf16, #tpu.memory_space<hbm>>
      %dma_start3A_307 = arith.constant 0 : i32
      %dma_start3A_308 = tpu.memref_slice %arg11[%mul3A_303, %dma_start3A_307] : memref<10240x128xbf16, #tpu.memory_space<vmem_shared>> -> memref<640x128xbf16, #tpu.memory_space<vmem_shared>>
      tpu.enqueue_dma source(%dma_start3A_308 : memref<640x128xbf16, #tpu.memory_space<vmem_shared>>) target(%dma_start3A_306 : memref<640x128xbf16, #tpu.memory_space<hbm>>) target_semaphore(%run_scoped3A : memref<!tpu.dma_semaphore, #tpu.memory_space<semaphore_mem>>)
      %dma_wait3A_309 = arith.constant 0 : i32
      %dma_wait3A_310 = tpu.memref_slice %arg5[%arg0, %mul3A_303, %dma_wait3A_309] : memref<2x10240x128xbf16, #tpu.memory_space<hbm>> -> memref<1x640x128xbf16, #tpu.memory_space<hbm>>
      %dma_wait3A_311 = tpu.memref_squeeze %dma_wait3A_310 : memref<1x640x128xbf16, #tpu.memory_space<hbm>> -> memref<640x128xbf16, #tpu.memory_space<hbm>>
      %dma_wait3A_312 = arith.constant 0 : i32
      %dma_wait3A_313 = tpu.memref_slice %arg11[%mul3A_303, %dma_wait3A_312] : memref<10240x128xbf16, #tpu.memory_space<vmem_shared>> -> memref<640x128xbf16, #tpu.memory_space<vmem_shared>>
      tpu.wait_dma2 semaphore(%run_scoped3A : memref<!tpu.dma_semaphore, #tpu.memory_space<semaphore_mem>>) src(%dma_wait3A_313 : memref<640x128xbf16, #tpu.memory_space<vmem_shared>>) dst(%dma_wait3A_311 : memref<640x128xbf16, #tpu.memory_space<hbm>>)
      tpu.yield
    }) : () -> ()
    return
  }
}

module attributes {stable_mosaic.version = 14 : i64} {
  func.func @_h2_body(%arg0: i32, %arg1: memref<512x128xf32, #tpu.memory_space<vmem>>, %arg2: memref<128x128xf32, #tpu.memory_space<vmem>>, %arg3: memref<2x512xf32, #tpu.memory_space<vmem>>, %arg4: memref<512x128xbf16, #tpu.memory_space<vmem>>) attributes {dimension_semantics = [#tpu.dimension_semantics<arbitrary>], iteration_bounds = array<i64: 20>, scalar_prefetch = 0 : i64, scratch_operands = 0 : i64, tpu.core_type = #tpu.core_type<tc>, window_params = [{transform_indices = @transform_0, window_bounds = array<i64: 512, 128>}, {pipeline_mode = #tpu.pipeline_mode<synchronous>, transform_indices = @transform_1, window_bounds = array<i64: 128, 128>}, {transform_indices = @transform_2, window_bounds = array<i64: 2, 512>}, {transform_indices = @transform_3, window_bounds = array<i64: 512, 128>}]} {
    %get3A = arith.constant 0 : index
    %get3A_0 = arith.constant 0 : index
    %get3A_1 = vector.load %arg3[%get3A, %get3A_0] : memref<2x512xf32, #tpu.memory_space<vmem>>, vector<1x512xf32>
    %get3A_2 = vector.shape_cast %get3A_1 : vector<1x512xf32> to vector<512xf32>
    %get3A_3 = arith.constant 1 : index
    %get3A_4 = arith.constant 0 : index
    %get3A_5 = vector.load %arg3[%get3A_3, %get3A_4] : memref<2x512xf32, #tpu.memory_space<vmem>>, vector<1x512xf32>
    %get3A_6 = vector.shape_cast %get3A_5 : vector<1x512xf32> to vector<512xf32>
    %add3A = arith.addf %get3A_2, %get3A_6 : vector<512xf32>
    %max3A = arith.constant 1.000000e+00 : f32
    %max3A_7 = vector.broadcast %max3A : f32 to vector<512xf32>
    %max3A_8 = arith.maximumf %add3A, %max3A_7 : vector<512xf32>
    %rsqrt3A = math.rsqrt %max3A_8 : vector<512xf32>
    %get3A_9 = arith.constant 0 : index
    %get3A_10 = arith.constant 0 : index
    %get3A_11 = vector.load %arg1[%get3A_9, %get3A_10] : memref<512x128xf32, #tpu.memory_space<vmem>>, vector<512x128xf32>
    %get3A_12 = arith.constant 0 : index
    %get3A_13 = arith.constant 0 : index
    %get3A_14 = vector.load %arg2[%get3A_12, %get3A_13] : memref<128x128xf32, #tpu.memory_space<vmem>>, vector<128x128xf32>
    %dot_general3A = arith.constant dense<0.000000e+00> : vector<512x128xf32>
    %dot_general3A_15 = tpu.matmul %get3A_11, %get3A_14, %dot_general3A {dimension_numbers = #tpu.dot_dimension_numbers<[1], [0], [0], [1], [0, 0, 1, 1], [], []>, transpose_lhs_hint = false} : vector<512x128xf32>, vector<128x128xf32>, vector<512x128xf32> -> vector<512x128xf32>
    %broadcast_in_dim3A = vector.shape_cast %rsqrt3A : vector<512xf32> to vector<512x1xf32>
    %mul3A = vector.broadcast %broadcast_in_dim3A : vector<512x1xf32> to vector<512x128xf32>
    %mul3A_16 = arith.mulf %dot_general3A_15, %mul3A : vector<512x128xf32>
    %convert_element_type3A = arith.truncf %mul3A_16 : vector<512x128xf32> to vector<512x128xbf16>
    %swap3A = arith.constant 0 : index
    %swap3A_17 = arith.constant 0 : index
    %swap3A_18 = vector.load %arg4[%swap3A, %swap3A_17] : memref<512x128xbf16, #tpu.memory_space<vmem>>, vector<512x128xbf16>
    tpu.vector_store %arg4[%swap3A, %swap3A_17], %convert_element_type3A {strides = array<i32>} : memref<512x128xbf16, #tpu.memory_space<vmem>>, vector<512x128xbf16>,
    return
  }
  func.func @transform_0(%arg0: i32) -> (i32, i32) {
    %c0_i32 = arith.constant 0 : i32
    %c0_i32_0 = arith.constant 0 : i32
    return %arg0, %c0_i32 : i32, i32
  }
  func.func @transform_1(%arg0: i32) -> (i32, i32) {
    %c0_i32 = arith.constant 0 : i32
    %c0_i32_0 = arith.constant 0 : i32
    %c0_i32_1 = arith.constant 0 : i32
    return %c0_i32, %c0_i32_0 : i32, i32
  }
  func.func @transform_2(%arg0: i32) -> (i32, i32) {
    %c0_i32 = arith.constant 0 : i32
    %c0_i32_0 = arith.constant 0 : i32
    return %c0_i32, %arg0 : i32, i32
  }
  func.func @transform_3(%arg0: i32) -> (i32, i32) {
    %c0_i32 = arith.constant 0 : i32
    %c0_i32_0 = arith.constant 0 : i32
    return %arg0, %c0_i32 : i32, i32
  }
}

module attributes {stable_mosaic.version = 14 : i64} {
  func.func @_out_body(%arg0: i32, %arg1: memref<2x400x128xbf16, #tpu.memory_space<vmem>>, %arg2: memref<400x2xf32, #tpu.memory_space<vmem>>, %arg3: memref<1x128xf32, #tpu.memory_space<vmem>>, %arg4: memref<400x128xf32, #tpu.memory_space<vmem>>) attributes {dimension_semantics = [#tpu.dimension_semantics<arbitrary>], iteration_bounds = array<i64: 25>, scalar_prefetch = 0 : i64, scratch_operands = 0 : i64, tpu.core_type = #tpu.core_type<tc>, window_params = [{transform_indices = @transform_0, window_bounds = array<i64: 2, 400, 128>}, {transform_indices = @transform_1, window_bounds = array<i64: 400, 2>}, {pipeline_mode = #tpu.pipeline_mode<synchronous>, transform_indices = @transform_2, window_bounds = array<i64: 1, 128>}, {transform_indices = @transform_3, window_bounds = array<i64: 400, 128>}]} {
    %get3A = arith.constant 0 : index
    %get3A_0 = arith.constant 0 : index
    %get3A_1 = vector.load %arg2[%get3A, %get3A_0] : memref<400x2xf32, #tpu.memory_space<vmem>>, vector<400x1xf32>
    %get3A_2 = vector.shape_cast %get3A_1 : vector<400x1xf32> to vector<400xf32>
    %get3A_3 = arith.constant 0 : index
    %get3A_4 = arith.constant 1 : index
    %get3A_5 = vector.load %arg2[%get3A_3, %get3A_4] : memref<400x2xf32, #tpu.memory_space<vmem>>, vector<400x1xf32>
    %get3A_6 = vector.shape_cast %get3A_5 : vector<400x1xf32> to vector<400xf32>
    %add3A = arith.addf %get3A_2, %get3A_6 : vector<400xf32>
    %max3A = arith.constant 1.000000e+00 : f32
    %max3A_7 = vector.broadcast %max3A : f32 to vector<400xf32>
    %max3A_8 = arith.maximumf %add3A, %max3A_7 : vector<400xf32>
    %rsqrt3A = math.rsqrt %max3A_8 : vector<400xf32>
    %get3A_9 = arith.constant 0 : index
    %get3A_10 = arith.constant 0 : index
    %get3A_11 = arith.constant 0 : index
    %get3A_12 = vector.load %arg1[%get3A_9, %get3A_10, %get3A_11] : memref<2x400x128xbf16, #tpu.memory_space<vmem>>, vector<1x400x128xbf16>
    %get3A_13 = vector.shape_cast %get3A_12 : vector<1x400x128xbf16> to vector<400x128xbf16>
    %convert_element_type3A = arith.extf %get3A_13 : vector<400x128xbf16> to vector<400x128xf32>
    %get3A_14 = arith.constant 1 : index
    %get3A_15 = arith.constant 0 : index
    %get3A_16 = arith.constant 0 : index
    %get3A_17 = vector.load %arg1[%get3A_14, %get3A_15, %get3A_16] : memref<2x400x128xbf16, #tpu.memory_space<vmem>>, vector<1x400x128xbf16>
    %get3A_18 = vector.shape_cast %get3A_17 : vector<1x400x128xbf16> to vector<400x128xbf16>
    %convert_element_type3A_19 = arith.extf %get3A_18 : vector<400x128xbf16> to vector<400x128xf32>
    %add3A_20 = arith.addf %convert_element_type3A, %convert_element_type3A_19 : vector<400x128xf32>
    %broadcast_in_dim3A = vector.shape_cast %rsqrt3A : vector<400xf32> to vector<400x1xf32>
    %mul3A = vector.broadcast %broadcast_in_dim3A : vector<400x1xf32> to vector<400x128xf32>
    %mul3A_21 = arith.mulf %add3A_20, %mul3A : vector<400x128xf32>
    %get3A_22 = arith.constant 0 : index
    %get3A_23 = arith.constant 0 : index
    %get3A_24 = vector.load %arg3[%get3A_22, %get3A_23] : memref<1x128xf32, #tpu.memory_space<vmem>>, vector<1x128xf32>
    %add3A_25 = vector.broadcast %get3A_24 : vector<1x128xf32> to vector<400x128xf32>
    %add3A_26 = arith.addf %mul3A_21, %add3A_25 : vector<400x128xf32>
    %max3A_27 = arith.constant 0.000000e+00 : f32
    %max3A_28 = vector.broadcast %max3A_27 : f32 to vector<400x128xf32>
    %max3A_29 = arith.maximumf %add3A_26, %max3A_28 : vector<400x128xf32>
    %swap3A = arith.constant 0 : index
    %swap3A_30 = arith.constant 0 : index
    %swap3A_31 = vector.load %arg4[%swap3A, %swap3A_30] : memref<400x128xf32, #tpu.memory_space<vmem>>, vector<400x128xf32>
    tpu.vector_store %arg4[%swap3A, %swap3A_30], %max3A_29 {strides = array<i32>} : memref<400x128xf32, #tpu.memory_space<vmem>>, vector<400x128xf32>,
    return
  }
  func.func @transform_0(%arg0: i32) -> (i32, i32, i32) {
    %c0_i32 = arith.constant 0 : i32
    %c0_i32_0 = arith.constant 0 : i32
    %c0_i32_1 = arith.constant 0 : i32
    return %c0_i32, %arg0, %c0_i32_0 : i32, i32, i32
  }
  func.func @transform_1(%arg0: i32) -> (i32, i32) {
    %c0_i32 = arith.constant 0 : i32
    %c0_i32_0 = arith.constant 0 : i32
    return %arg0, %c0_i32 : i32, i32
  }
  func.func @transform_2(%arg0: i32) -> (i32, i32) {
    %c0_i32 = arith.constant 0 : i32
    %c0_i32_0 = arith.constant 0 : i32
    %c0_i32_1 = arith.constant 0 : i32
    return %c0_i32, %c0_i32_0 : i32, i32
  }
  func.func @transform_3(%arg0: i32) -> (i32, i32) {
    %c0_i32 = arith.constant 0 : i32
    %c0_i32_0 = arith.constant 0 : i32
    return %arg0, %c0_i32 : i32, i32
  }
}

</mosaic_0001>

<sc_bundles>
// kernel: kernel.6.cloned.1.call-start
scs
__scs_entry_jumppad:
0x0: {  	(pc) =	sbr.rel $0x88, $3  }
0x1: {  	(tag) =	ssettag $0x0;
	lr =	simm.s32 $0x1  }
0x2: {  	[smem:$0x3F9D] =	sst lr;
	_ =	strace $0xD0000000  }
0x3: {  	_ = 	snop  }
0x4: {  	_ = 	snop  }
0x5: {  	_ = 	snop  }
0x6: {  	_ = 	snop  }
0x7: {  	_ = 	snop  }
__scs_overlays_trampoline_lowered:
0x8: {  	[smem:$0x3FAC] =	sst s0  }
0x9: {  	[smem:$0x3FAD] =	sst s1  }
0xa: {  	[smem:$0x3FAE] =	sst s2  }
0xb: {  	[smem:$0x3FAF] =	sst s3  }
0xc: {  	[smem:$0x3FB0] =	sst s4  }
0xd: {  	[smem:$0x3FB1] =	sst s5  }
0xe: {  	[smem:$0x3FB2] =	sst s6  }
0xf: {  	[smem:$0x3FB3] =	sst s7  }
0x10: {  	[smem:$0x3FB4] =	sst s8  }
0x11: {  	[smem:$0x3FB5] =	sst s9;
	s0 =	simm.s32 @!p0 $0x0  }
0x12: {  	s1 =	sld [smem:$0x3F9B];
	s0 =	simm.s32 @p0 $0x1  }
0x13: {  	[smem:$0x3FB6] =	sst s0;
	s0 =	simm.s32 @!p1 $0x0  }
0x14: {  	s2 =	sld [smem:$0x3F9A];
	s0 =	simm.s32 @p1 $0x1  }
0x15: {  	[smem:$0x3FB7] =	sst s0;
	s0 =	simm.s32 @!p2 $0x0  }
0x16: {  	s3 =	sld [smem:$0x3FDB];
	s0 =	simm.s32 @p2 $0x1  }
0x17: {  	s4 =	simm.s32 $0x1BF5;
	[smem:$0x3FB9] =	sst s0  }
0x18: {  	s0 =	sld [smem:$0x3F9C];
	_ =	swait.ge [sflag:s4], $0x0  }
0x19: {  	s7 =	sld [smem:$0x3F9D]  }
0x1a: {  	s8 =	sadd.s32 $0xFFFFE003, lr  }
0x1b: {  	s9 =	sadd.s32 $0xFFFFFEF7, lr;
	s5 =	simm.s32 $0xFFFFFFFF;
	p2 =	slt.u32 s8, $0xFFFFF086  }
0x1c: {  	p1 =	slt.u32 s9, $0xF7A;
	s5 =	simm.s32 @!p2 $0x0  }
0x1d: {  	s5 =	simm.s32 @p1 $0x1;
	p0 =	seq.s32 s7, s2  }
0x1e: {  	s7 =	smul.u32 @!p0 $0xF7A, s2;
	p2 =	seq.s32 @!p0 s5, $0x0  }
0x1f: {  	s9 =	smul.u32 $0xF7A, s1;
	s8 =	simm.s32 @!p0 $0x1BF5;
	p2 =	por !p2, p0  }
0x20: {  	[sflag:s8] =	ssyncset.s32 @!p0 $0xFFFFF086;
	s6 =	sadd.s32 @!p0 s3, s7;
	s7 =	simm.s32 @!p0 $0x108  }
0x21: {  	s3 =	sadd.s32 s3, s9;
	s6 =	sadd.s32 @!p0 $0x88, s6;
	s7 =	simm.s32 @p2 $0x1082  }
0x22: {  	[simem:s7], [sflag:s8] =	dma.local @!p0 [hbm:s6], $0xF7A  }
0x23: {  	s9 =	sor.u32 $0xD0000000, s2;
	s6 =	simm.s32 $0x108;
	_ =	swait.ge @!p0 [sflag:s8], $0x0  }
0x24: {  	s3 =	sadd.s32 $0x88, s3;
	s6 =	simm.s32 @!p1 $0x1082;
	[sflag:s4] =	ssyncset.s32 $0xFFFFF086  }
0x25: {  	[simem:s6], [sflag:s4] =	dma.local [hbm:s3], $0xF7A  }
0x26: {  	[smem:$0x3F9D] =	sst s1;
	(tag) =	ssettag s2;
	_ =	strace s9  }
0x27: {  	s1 =	sld [smem:$0x3FAD]  }
0x28: {  	s2 =	sld [smem:$0x3FAE]  }
0x29: {  	s4 =	sld [smem:$0x3FB0]  }
0x2a: {  	p0 =	seq.s32 s5, $0x0;
	s5 =	sld [smem:$0x3FB1]  }
0x2b: {  	s6 =	sld [smem:$0x3FB2]  }
0x2c: {  	s7 =	sld [smem:$0x3FB3]  }
0x2d: {  	s3 =	simm.s32 $0x108;
	s8 =	sld [smem:$0x3FB4]  }
0x2e: {  	s3 =	simm.s32 @!p0 $0x1082;
	s9 =	sld [smem:$0x3FB5]  }
0x2f: {  	lr =	sadd.s32 s0, s3;
	s0 =	sld [smem:$0x3FAC]  }
0x30: {  	s3 =	sld [smem:$0x3FAF]  }
0x31: {  	[smem:$0x3FB8] =	sst s10  }
0x32: {  	s10 =	sld [smem:$0x3FB6];
	_ =	sdelay $0x3  }
0x33: {  	p0 =	seq.s32 s10, $0x1;
	s10 =	sld [smem:$0x3FB8];
	_ =	sdelay $0x3  }
0x34: {  	[smem:$0x3FB8] =	sst s10  }
0x35: {  	s10 =	sld [smem:$0x3FB7];
	_ =	sdelay $0x3  }
0x36: {  	p1 =	seq.s32 s10, $0x1;
	s10 =	sld [smem:$0x3FB8];
	_ =	sdelay $0x3  }
0x37: {  	[smem:$0x3FB8] =	sst s10  }
0x38: {  	s10 =	sld [smem:$0x3FB9]  }
0x39: {  	_ = 	snop;
	(pc) =	sbr.ind lr, $3  }
0x3a: {  	_ = 	snop  }
0x3b: {  	_ = 	snop  }
0x3c: {  	p2 =	seq.s32 s10, $0x1;
	s10 =	sld [smem:$0x3FB8]  }
0x3d: {  	_ =	shalt  }
0x3e: {  	_ =	shalt  }
0x3f: {  	_ =	shalt  }
0x40: {  	_ =	shalt  }
0x41: {  	_ =	shalt  }
0x42: {  	_ =	shalt  }
0x43: {  	_ =	shalt  }
0x44: {  	_ =	shalt  }
0x45: {  	_ =	shalt  }
0x46: {  	_ =	shalt  }
0x47: {  	_ =	shalt  }
0x48: {  	_ =	shalt  }
0x49: {  	_ =	shalt  }
0x4a: {  	_ =	shalt  }
0x4b: {  	_ =	shalt  }
0x4c: {  	_ =	shalt  }
0x4d: {  	_ =	shalt  }
0x4e: {  	_ =	shalt  }
0x4f: {  	_ =	shalt  }
0x50: {  	_ =	shalt  }
0x51: {  	_ =	shalt  }
0x52: {  	_ =	shalt  }
0x53: {  	_ =	shalt  }
0x54: {  	_ =	shalt  }
0x55: {  	_ =	shalt  }
0x56: {  	_ =	shalt  }
0x57: {  	_ =	shalt  }
0x58: {  	_ =	shalt  }
0x59: {  	_ =	shalt  }
0x5a: {  	_ =	shalt  }
0x5b: {  	_ =	shalt  }
0x5c: {  	_ =	shalt  }
0x5d: {  	_ =	shalt  }
0x5e: {  	_ =	shalt  }
0x5f: {  	_ =	shalt  }
0x60: {  	_ =	shalt  }
0x61: {  	_ =	shalt  }
0x62: {  	_ =	shalt  }
0x63: {  	_ =	shalt  }
0x64: {  	_ =	shalt  }
0x65: {  	_ =	shalt  }
0x66: {  	_ =	shalt  }
0x67: {  	_ =	shalt  }
0x68: {  	_ =	shalt  }
0x69: {  	_ =	shalt  }
0x6a: {  	_ =	shalt  }
0x6b: {  	_ =	shalt  }
0x6c: {  	_ =	shalt  }
0x6d: {  	_ =	shalt  }
0x6e: {  	_ =	shalt  }
0x6f: {  	_ =	shalt  }
0x70: {  	_ =	shalt  }
0x71: {  	_ =	shalt  }
0x72: {  	_ =	shalt  }
0x73: {  	_ =	shalt  }
0x74: {  	_ =	shalt  }
0x75: {  	_ =	shalt  }
0x76: {  	_ =	shalt  }
0x77: {  	_ =	shalt  }
0x78: {  	_ =	shalt  }
0x79: {  	_ =	shalt  }
0x7a: {  	_ =	shalt  }
0x7b: {  	_ =	shalt  }
0x7c: {  	_ =	shalt  }
0x7d: {  	_ =	shalt  }
0x7e: {  	_ =	shalt  }
0x7f: {  	_ =	shalt  }
0x80: {  	_ =	shalt  }
0x81: {  	_ =	shalt  }
0x82: {  	_ =	shalt  }
0x83: {  	_ =	shalt  }
0x84: {  	_ =	shalt  }
0x85: {  	_ =	shalt  }
0x86: {  	_ =	shalt  }
0x87: {  	_ =	shalt  }
.Lfunc_end0:
.L_simem_size_0:
called_computation_lowered:
.L_overlay_start_0:
0x88: {  	s2 =	sld [smem:$0x3FD9]  }
0x89: {  	s3 =	sld [smem:$0x3FFE];
	_ =	sdelay $0x1  }
0x8a: {  	s1 =	srdreg.scid  }
0x8b: {  	s0 =	sand.u32 $0x1, s1  }
0x8c: {  	s17 =	sshll.u32 s0, $0xA;
	s2 =	sadd.s32 s3, s2  }
0x8d: {  	s2 =	sadd.s32 s2, s17  }
0x8e: {  	[smem:$0x3FC4] =	sst s2  }
0x8f: {  	_ = 	snop  }
0x90: {  	s2 =	sld [smem:$0x3FD0];
	(tm) =	ssettm $0x1  }
0x91: {  	s18 =	sld [smem:$0x3FFB];
	_ =	sdelay $0x3  }
0x92: {  	_ =	strace s18  }
0x93: {  	s3 =	sld [smem:$0x3FFC];
	_ =	sdelay $0x3  }
0x94: {  	_ =	strace s3  }
0x95: {  	s3 =	sld [smem:$0x3FFD];
	_ =	sdelay $0x3  }
0x96: {  	_ =	strace s3  }
0x97: {  	_ =	strace $0x8FFFFFFF  }
0x98: {  	s19 =	sld [smem:$0x3FDB];
	_ =	sdelay $0x1  }
0x99: {  	s4 =	simm.s32 $_scs_section_size  }
0x9a: {  	s5 =	simm.s32 $_size__tile_overlayer_lowered;
	s6 =	simm.s32 $_tile_overlayer_lowered  }
0x9b: {  	s22 =	simm.s32 $0x1BFF;
	s21 =	sshll.u32 s6, $0x1;
	s3 =	sadd.s32 s4, s19  }
0x9c: {  	s7 =	simm.s32 $0x0;
	s20 =	sshll.u32 s5, $0x1;
	s5 =	sadd.s32 s21, s3  }
0x9d: {  	[timem:s7], [sflag:s22] =	dma.local [hbm:s5], s20  }
0x9e: {  	_ =	swait.ge [sflag:s22], s20  }
0x9f: {  	s4 =	ssub.s32 $0x0, s20;
	[sflag:s22] =	ssyncset.done $0x0  }
0xa0: {  	[sflag:s22] =	ssyncadd.s32 s4;
	_ =	sdelay $0x1  }
0xa1: {  	s23 =	simm.s32 $0x1B8B  }
0xa2: {  	_ =	swait.ge [sflag:s23], $0x1  }
0xa3: {  	[sflag:s23] =	ssyncset.done $0x0  }
0xa4: {  	s25 =	simm.s32 $0x1B8E;
	s24 =	sld [smem:$0x3FFE];
	[sflag:s23] =	ssyncadd.s32 $0xFFFFFFFF  }
0xa5: {  	s26 =	simm.s32 $execute0_lowered;
	[smem:$0x3FD2] =	sst s25  }
0xa6: {  	s5 =	sshll.u32 s26, $0x1;
	_ =	strace $0x80000046;
	[dreg:$0x1] =	wrdreg $0xFFFFFFFF  }
0xa7: {  	s28 =	simm.s32 $_size_execute0_lowered;
	s3 =	sadd.s32 s3, s5;
	[dreg:$0x0] =	wrdreg $0x0  }
0xa8: {  	s5 =	sshll.u32 s28, $0x1;
	[dreg:$0x2] =	wrdreg s3  }
0xa9: {  	[dreg:$0x3] =	wrdreg s5  }
0xaa: {  	[dreg:$0x4] =	wrdreg $0xC0  }
0xab: {  	_ =	task [dreg:s7], $0x5FFFF  }
0xac: {  	[dreg:$0x1] =	wrdreg $0xFFFFFFFF  }
0xad: {  	[dreg:$0x0] =	wrdreg $0x60  }
0xae: {  	[dreg:$0x2] =	wrdreg s24  }
0xaf: {  	[dreg:$0x3] =	wrdreg s2  }
0xb0: {  	[dreg:$0x4] =	wrdreg $0x2C000  }
0xb1: {  	[dreg:$0x5] =	wrdreg $0x9  }
0xb2: {  	_ =	task.clear_ibuf [dreg:s7], $0x6FFFF;
	_ =	strace $0x90000046  }
0xb3: {  	s29 =	simm.s32 $0x9;
	_ =	strace $0x80000048  }
0xb4: {  	_ =	swait.ge [sflag:s29], $0x1  }
0xb5: {  	[sflag:s29] =	ssyncadd.s32 $0xFFFFFFFF  }
0xb6: {  	_ =	strace $0x90000048  }
0xb7: {  	_ =	sfence  }
0xb8: {  	s30 =	sld [smem:$0x0];
	_ =	sdelay $0x2  }
0xb9: {  	s31 =	sshll.u32 s1, $0xD;
	s1 =	sshrl.u32 s1, $0x2  }
0xba: {  	s3 =	sand.u32 $0x4000, s31;
	s1 =	sadd.s32 s1, s30  }
0xbb: {  	s0 =	sor.u32 s3, s0;
	s1 =	sshll.u32 s1, $0x11  }
0xbc: {  	s0 =	sor.u32 s1, s0  }
0xbd: {  	s0 =	sadd.s32 $0x8F2B, s0  }
0xbe: {  	[sflag:s0] =	ssyncadd.remote.s32 $0x1  }
0xbf: {  	_ =	sfence.sel $0xFFFF  }
0xc0: {  	[dreg:$0x0] =	wrdreg $0xFFFFFFFF;
	(pc) =	sbr.abs _section_cstart, $3  }
0xc1: {  	[dreg:$0x1] =	wrdreg $0xFFFFFFFF  }
0xc2: {  	_ =	task.clear_ibuf [dreg:s7], $0x2FFFF;
	_ =	strace $0x9FFFFFFF  }
0xc3: {  	(tm) =	ssettm $0x7FFFFFFF  }
tec
execute0_lowered:
.L_overlay_start_1:
0x0: {  	(tag) =	ssettag $0x1  }
0x1: {  	s5 =	rddreg [dreg:$0x0]  }
0x2: {  	s6 =	rddreg [dreg:$0x1]  }
0x3: {  	s0 =	srdreg.scid;
	s2 =	rddreg [dreg:$0x2]  }
0x4: {  	s3 =	simm.s32 $0x0;
	s10 =	simm.s32 $0x80;
	s11 =	simm.s32 $0x2900  }
0x5: {  	s12 =	simm.s32 $0x1;
	s4 =	sand.u32 $0x1, s0;
	s0 =	stileid.u32  }
0x6: {  	s15 =	simm.s32 $0x0;
	[smem:$0x7FF] =	sst s3;
	s8 =	smul.u32 $0x280, s0  }
0x7: {  	s1 =	sshll.u32 s4, $0x4;
	s9 =	smul.u32 $0x2800, s4;
	s4 =	ssub.s32 $0x2, s4  }
0x8: {  	s13 =	sshll.u32 s0, $0x6;
	s1 =	sor.u32 s0, s1;
	s30 =	sshrl.u32 s4, $0x1  }
0x9: {  	s13 =	sor.u32 $0x1C02, s13;
	s7 =	smul.u32 $0x520, s1;
	s9 =	sadd.s32 s8, s9  }
0xa: {  	s1 =	rddreg [dreg:$0x3];
	_ =	strace $0x80000047;
	s31 =	sshrl.u32 s9, $0x3  }
0xb: {  	s9 =	simm.s32 $0x2;
	s5 =	sadd.s32 s7, s5;
	s7 =	ssub.s32 s4, s30  }
0xc: {  	s4 =	sadd.s32 s8, s2;
	s6 =	sadd.s32 s6, s31;
	s8 =	simm.s32 $0x2980  }
0xd: {  	v0 =	vimm.f32 $1.000000000e+00;
	v1 =	vimm.f32 $0.0e+00;
	s5 =	sadd.s32 $0xE00, s5;
	s7 =	smax.u32 s7, $0x1;
	s14 =	sshrl.u32 s4, $0x3  }
.LBB2_1:
0xe: {  	[tilespmem:$0x2900] =	vst v0  }
0xf: {  	[tilespmem:$0x2910] =	vst v0  }
0x10: {  	[tilespmem:$0x2920] =	vst v0  }
0x11: {  	[tilespmem:$0x2930] =	vst v0  }
0x12: {  	[tilespmem:$0x2940] =	vst v0  }
0x13: {  	[tilespmem:$0x2950] =	vst v0  }
0x14: {  	[tilespmem:$0x2960] =	vst v0  }
0x15: {  	[tilespmem:$0x2970] =	vst v0  }
0x16: {  	[tilespmem:$0x2980] =	vst v1  }
0x17: {  	[tilespmem:$0x2990] =	vst v1  }
0x18: {  	[tilespmem:$0x29A0] =	vst v1  }
0x19: {  	[tilespmem:$0x29B0] =	vst v1  }
0x1a: {  	[tilespmem:$0x29C0] =	vst v1  }
0x1b: {  	[tilespmem:$0x29D0] =	vst v1  }
0x1c: {  	[tilespmem:$0x29E0] =	vst v1  }
0x1d: {  	[tilespmem:$0x29F0] =	vst v1  }
0x1e: {  	[tilespmem:$0x2A00] =	vst v1  }
0x1f: {  	[tilespmem:$0x2A10] =	vst v1  }
0x20: {  	[tilespmem:$0x2A20] =	vst v1  }
0x21: {  	[tilespmem:$0x2A30] =	vst v1  }
0x22: {  	[tilespmem:$0x2A40] =	vst v1  }
0x23: {  	[tilespmem:$0x2A50] =	vst v1  }
0x24: {  	[tilespmem:$0x2A60] =	vst v1  }
0x25: {  	[tilespmem:$0x2A70] =	vst v1  }
0x26: {  	[tilespmem:$0x2A80] =	vst v1  }
0x27: {  	[tilespmem:$0x2A90] =	vst v1  }
0x28: {  	[tilespmem:$0x2AA0] =	vst v1  }
0x29: {  	[tilespmem:$0x2AB0] =	vst v1  }
0x2a: {  	[tilespmem:$0x2AC0] =	vst v1  }
0x2b: {  	[tilespmem:$0x2AD0] =	vst v1  }
0x2c: {  	[tilespmem:$0x2AE0] =	vst v1  }
0x2d: {  	[tilespmem:$0x2AF0] =	vst v1  }
0x2e: {  	[tilespmem:$0x2B00] =	vst v1  }
0x2f: {  	[tilespmem:$0x2B10] =	vst v1  }
0x30: {  	[tilespmem:$0x2B20] =	vst v1  }
0x31: {  	[tilespmem:$0x2B30] =	vst v1  }
0x32: {  	[tilespmem:$0x2B40] =	vst v1  }
0x33: {  	[tilespmem:$0x2B50] =	vst v1  }
0x34: {  	[tilespmem:$0x2B60] =	vst v1  }
0x35: {  	[tilespmem:$0x2B70] =	vst v1  }
0x36: {  	[tilespmem:$0x2B80] =	vst v1  }
0x37: {  	[tilespmem:$0x2B90] =	vst v1  }
0x38: {  	[tilespmem:$0x2BA0] =	vst v1  }
0x39: {  	[tilespmem:$0x2BB0] =	vst v1  }
0x3a: {  	[tilespmem:$0x2BC0] =	vst v1  }
0x3b: {  	[tilespmem:$0x2BD0] =	vst v1  }
0x3c: {  	[tilespmem:$0x2BE0] =	vst v1  }
0x3d: {  	[tilespmem:$0x2BF0] =	vst v1  }
0x3e: {  	[spmem:s4] =	stream.linear.scatter [tilespmem:s8], [sflag:$0x2], $0x280, $0x38;
	[tilespmem:$0x2E80] =	vst v63  }
0x3f: {  	_ =	swait.ge [sflag:s9], $0x280  }
0x40: {  	[sflag:s9] =	ssyncset.done $0x0  }
0x41: {  	[sflag:s9] =	ssyncadd.s32 $0xFFFFFD80  }
0x42: {  	[tilespmem:s3], [sflag:$0x2] =	stream.linear.gather [hbm4b:s5+s3], $0x2900, $0x38;
	[tilespmem:$0x2E80] =	vst v63  }
0x43: {  	_ =	swait.ge [sflag:s9], $0x2900  }
0x44: {  	[sflag:s9] =	ssyncset.done $0x0  }
0x45: {  	[sflag:s9] =	ssyncadd.s32 $0xFFFFD700  }
0x46: {  	s16 =	simm.s32 $0x0;
	[bflag:$0x0] =	sbarrier.arrive $0xFFFF  }
.LBB2_2:
0x47: {  	p0 =	sne.s32 s16, $0xA200  }
.Ltmp0:
0x48: {  	_ = 	snop;
	(pc) =	sbr.rel @p0 .LBB2_2-.Ltmp0, $3  }
0x49: {  	_ =	sdelay $0x1  }
0x4a: {  	s17 =	sshra.s32 s16, $0x2;
	s16 =	sadd.s32 $0x200, s16  }
0x4b: {  	[spmem:s2] =	stream.indirect.scatter.add.f32 [tilespmem:s11], [sflag:$0x1], $0x1, s17, s10, $0xb8;
	[tilespmem:$0x2E80] =	vst v63  }
0x4c: {  	_ =	swait.ge [sflag:s12], $0x80  }
0x4d: {  	s16 =	simm.s32 $0x51;
	[sflag:s12] =	ssyncset.done $0x0  }
.LBB2_4:
0x4e: {  	p0 =	sne.s32 s16, $0x1;
	s16 =	sadd.s32 $0xFFFFFFFF, s16;
	[sflag:s12] =	ssyncadd.s32 $0xFFFFFF80  }
.Ltmp1:
0x4f: {  	(pc) =	sbr.rel @p0 .LBB2_4-.Ltmp1, $3  }
0x50: {  	_ =	sdelay $0x1  }
0x51: {  	_ =	swait.ge [sflag:s12], $0x80  }
0x52: {  	[sflag:s12] =	ssyncset.done $0x0  }
0x53: {  	s15 =	sadd.s32 $0x1, s15  }
0x54: {  	[sflag:s12] =	ssyncadd.s32 $0xFFFFFF80;
	p0 =	sne.s32 s15, s7  }
.Ltmp2:
0x55: {  	[bflag:$0x0] =	sbarrier.arrive $0xFFFF;
	(pc) =	sbr.rel @p0 .LBB2_1-.Ltmp2, $4  }
0x56: {  	[hbm:s6], [sflag:s13] =	dma.local [spmem:s14], $0x50  }
0x57: {  	_ =	swait.ge [sflag:s9], $0x50  }
0x58: {  	[sflag:s9] =	ssyncset.done $0x0  }
0x59: {  	[sflag:s9] =	ssyncadd.s32 $0xFFFFFFB0  }
0x5a: {  	_ =	sfence.sel $0x180000  }
0x5b: {  	[bflag:$0x0] =	sbarrier.arrive $0xFFFF  }
0x5c: {  	p0 =	sne.s32 s0, $0x0;
	_ =	strace $0x90000047  }
0x5d: {  	s0 =	sadd.s32 @!p0 $0x100000, s1;
	[bflag:$0x2] =	sbarrier.arrive $0xFFFF  }
0x5e: {  	[sflag:s0] =	ssyncadd.tile.s32 @!p0 $0x1;
	_ =	shalt  }
.Lfunc_end2:
_tile_overlayer_lowered:
.L_overlay_start_2:
0x5f: {  	(tag) =	ssettag $0x2  }
0x60: {  	s0 =	rddreg [dreg:$0x0];
	s2 =	stileid.u32  }
0x61: {  	s1 =	rddreg [dreg:$0x1];
	p0 =	sne.s32 s2, $0x0  }
0x62: {  	s3 =	rddreg [dreg:$0x2];
	[bflag:$0x3] =	sbarrier.arrive $0xFFFF;
	s2 =	simm.s32 @!p0 $0x1C02  }
0x63: {  	[timem:s3], [sflag:s2] =	dma.local @!p0 [hbm:s0], s1  }
0x64: {  	s0 =	simm.s32 @!p0 $0x2  }
0x65: {  	_ =	swait.ge @!p0 [sflag:s0], s1  }
0x66: {  	s1 =	ssub.s32 @!p0 $0x0, s1;
	[sflag:s0] =	ssyncset.done @!p0 $0x0  }
0x67: {  	[sflag:s0] =	ssyncadd.s32 @!p0 s1  }
0x68: {  	[bflag:$0x3] =	sbarrier.arrive $0xFFFF  }
0x69: {  	_ =	shalt  }

// kernel: kernel.9.cloned.1.call-start
scs
__scs_entry_jumppad:
0x0: {  	(pc) =	sbr.rel $0x88, $3  }
0x1: {  	(tag) =	ssettag $0x0;
	lr =	simm.s32 $0x1  }
0x2: {  	[smem:$0x3F9D] =	sst lr;
	_ =	strace $0xD0000000  }
0x3: {  	_ = 	snop  }
0x4: {  	_ = 	snop  }
0x5: {  	_ = 	snop  }
0x6: {  	_ = 	snop  }
0x7: {  	_ = 	snop  }
__scs_overlays_trampoline_lowered:
0x8: {  	[smem:$0x3FAC] =	sst s0  }
0x9: {  	[smem:$0x3FAD] =	sst s1  }
0xa: {  	[smem:$0x3FAE] =	sst s2  }
0xb: {  	[smem:$0x3FAF] =	sst s3  }
0xc: {  	[smem:$0x3FB0] =	sst s4  }
0xd: {  	[smem:$0x3FB1] =	sst s5  }
0xe: {  	[smem:$0x3FB2] =	sst s6  }
0xf: {  	[smem:$0x3FB3] =	sst s7  }
0x10: {  	[smem:$0x3FB4] =	sst s8  }
0x11: {  	[smem:$0x3FB5] =	sst s9;
	s0 =	simm.s32 @!p0 $0x0  }
0x12: {  	s1 =	sld [smem:$0x3F9B];
	s0 =	simm.s32 @p0 $0x1  }
0x13: {  	[smem:$0x3FB6] =	sst s0;
	s0 =	simm.s32 @!p1 $0x0  }
0x14: {  	s2 =	sld [smem:$0x3F9A];
	s0 =	simm.s32 @p1 $0x1  }
0x15: {  	[smem:$0x3FB7] =	sst s0;
	s0 =	simm.s32 @!p2 $0x0  }
0x16: {  	s3 =	sld [smem:$0x3FDB];
	s0 =	simm.s32 @p2 $0x1  }
0x17: {  	s4 =	simm.s32 $0x1BF5;
	[smem:$0x3FB9] =	sst s0  }
0x18: {  	s0 =	sld [smem:$0x3F9C];
	_ =	swait.ge [sflag:s4], $0x0  }
0x19: {  	s7 =	sld [smem:$0x3F9D]  }
0x1a: {  	s8 =	sadd.s32 $0xFFFFE003, lr  }
0x1b: {  	s9 =	sadd.s32 $0xFFFFFEF7, lr;
	s5 =	simm.s32 $0xFFFFFFFF;
	p2 =	slt.u32 s8, $0xFFFFF086  }
0x1c: {  	p1 =	slt.u32 s9, $0xF7A;
	s5 =	simm.s32 @!p2 $0x0  }
0x1d: {  	s5 =	simm.s32 @p1 $0x1;
	p0 =	seq.s32 s7, s2  }
0x1e: {  	s7 =	smul.u32 @!p0 $0xF7A, s2;
	p2 =	seq.s32 @!p0 s5, $0x0  }
0x1f: {  	s9 =	smul.u32 $0xF7A, s1;
	s8 =	simm.s32 @!p0 $0x1BF5;
	p2 =	por !p2, p0  }
0x20: {  	[sflag:s8] =	ssyncset.s32 @!p0 $0xFFFFF086;
	s6 =	sadd.s32 @!p0 s3, s7;
	s7 =	simm.s32 @!p0 $0x108  }
0x21: {  	s3 =	sadd.s32 s3, s9;
	s6 =	sadd.s32 @!p0 $0x88, s6;
	s7 =	simm.s32 @p2 $0x1082  }
0x22: {  	[simem:s7], [sflag:s8] =	dma.local @!p0 [hbm:s6], $0xF7A  }
0x23: {  	s9 =	sor.u32 $0xD0000000, s2;
	s6 =	simm.s32 $0x108;
	_ =	swait.ge @!p0 [sflag:s8], $0x0  }
0x24: {  	s3 =	sadd.s32 $0x88, s3;
	s6 =	simm.s32 @!p1 $0x1082;
	[sflag:s4] =	ssyncset.s32 $0xFFFFF086  }
0x25: {  	[simem:s6], [sflag:s4] =	dma.local [hbm:s3], $0xF7A  }
0x26: {  	[smem:$0x3F9D] =	sst s1;
	(tag) =	ssettag s2;
	_ =	strace s9  }
0x27: {  	s1 =	sld [smem:$0x3FAD]  }
0x28: {  	s2 =	sld [smem:$0x3FAE]  }
0x29: {  	s4 =	sld [smem:$0x3FB0]  }
0x2a: {  	p0 =	seq.s32 s5, $0x0;
	s5 =	sld [smem:$0x3FB1]  }
0x2b: {  	s6 =	sld [smem:$0x3FB2]  }
0x2c: {  	s7 =	sld [smem:$0x3FB3]  }
0x2d: {  	s3 =	simm.s32 $0x108;
	s8 =	sld [smem:$0x3FB4]  }
0x2e: {  	s3 =	simm.s32 @!p0 $0x1082;
	s9 =	sld [smem:$0x3FB5]  }
0x2f: {  	lr =	sadd.s32 s0, s3;
	s0 =	sld [smem:$0x3FAC]  }
0x30: {  	s3 =	sld [smem:$0x3FAF]  }
0x31: {  	[smem:$0x3FB8] =	sst s10  }
0x32: {  	s10 =	sld [smem:$0x3FB6];
	_ =	sdelay $0x3  }
0x33: {  	p0 =	seq.s32 s10, $0x1;
	s10 =	sld [smem:$0x3FB8];
	_ =	sdelay $0x3  }
0x34: {  	[smem:$0x3FB8] =	sst s10  }
0x35: {  	s10 =	sld [smem:$0x3FB7];
	_ =	sdelay $0x3  }
0x36: {  	p1 =	seq.s32 s10, $0x1;
	s10 =	sld [smem:$0x3FB8];
	_ =	sdelay $0x3  }
0x37: {  	[smem:$0x3FB8] =	sst s10  }
0x38: {  	s10 =	sld [smem:$0x3FB9]  }
0x39: {  	_ = 	snop;
	(pc) =	sbr.ind lr, $3  }
0x3a: {  	_ = 	snop  }
0x3b: {  	_ = 	snop  }
0x3c: {  	p2 =	seq.s32 s10, $0x1;
	s10 =	sld [smem:$0x3FB8]  }
0x3d: {  	_ =	shalt  }
0x3e: {  	_ =	shalt  }
0x3f: {  	_ =	shalt  }
0x40: {  	_ =	shalt  }
0x41: {  	_ =	shalt  }
0x42: {  	_ =	shalt  }
0x43: {  	_ =	shalt  }
0x44: {  	_ =	shalt  }
0x45: {  	_ =	shalt  }
0x46: {  	_ =	shalt  }
0x47: {  	_ =	shalt  }
0x48: {  	_ =	shalt  }
0x49: {  	_ =	shalt  }
0x4a: {  	_ =	shalt  }
0x4b: {  	_ =	shalt  }
0x4c: {  	_ =	shalt  }
0x4d: {  	_ =	shalt  }
0x4e: {  	_ =	shalt  }
0x4f: {  	_ =	shalt  }
0x50: {  	_ =	shalt  }
0x51: {  	_ =	shalt  }
0x52: {  	_ =	shalt  }
0x53: {  	_ =	shalt  }
0x54: {  	_ =	shalt  }
0x55: {  	_ =	shalt  }
0x56: {  	_ =	shalt  }
0x57: {  	_ =	shalt  }
0x58: {  	_ =	shalt  }
0x59: {  	_ =	shalt  }
0x5a: {  	_ =	shalt  }
0x5b: {  	_ =	shalt  }
0x5c: {  	_ =	shalt  }
0x5d: {  	_ =	shalt  }
0x5e: {  	_ =	shalt  }
0x5f: {  	_ =	shalt  }
0x60: {  	_ =	shalt  }
0x61: {  	_ =	shalt  }
0x62: {  	_ =	shalt  }
0x63: {  	_ =	shalt  }
0x64: {  	_ =	shalt  }
0x65: {  	_ =	shalt  }
0x66: {  	_ =	shalt  }
0x67: {  	_ =	shalt  }
0x68: {  	_ =	shalt  }
0x69: {  	_ =	shalt  }
0x6a: {  	_ =	shalt  }
0x6b: {  	_ =	shalt  }
0x6c: {  	_ =	shalt  }
0x6d: {  	_ =	shalt  }
0x6e: {  	_ =	shalt  }
0x6f: {  	_ =	shalt  }
0x70: {  	_ =	shalt  }
0x71: {  	_ =	shalt  }
0x72: {  	_ =	shalt  }
0x73: {  	_ =	shalt  }
0x74: {  	_ =	shalt  }
0x75: {  	_ =	shalt  }
0x76: {  	_ =	shalt  }
0x77: {  	_ =	shalt  }
0x78: {  	_ =	shalt  }
0x79: {  	_ =	shalt  }
0x7a: {  	_ =	shalt  }
0x7b: {  	_ =	shalt  }
0x7c: {  	_ =	shalt  }
0x7d: {  	_ =	shalt  }
0x7e: {  	_ =	shalt  }
0x7f: {  	_ =	shalt  }
0x80: {  	_ =	shalt  }
0x81: {  	_ =	shalt  }
0x82: {  	_ =	shalt  }
0x83: {  	_ =	shalt  }
0x84: {  	_ =	shalt  }
0x85: {  	_ =	shalt  }
0x86: {  	_ =	shalt  }
0x87: {  	_ =	shalt  }
.Lfunc_end0:
.L_simem_size_0:
called_computation.1_lowered:
.L_overlay_start_0:
0x88: {  	s2 =	sld [smem:$0x3FD9]  }
0x89: {  	s3 =	sld [smem:$0x3FFE];
	_ =	sdelay $0x1  }
0x8a: {  	s1 =	srdreg.scid  }
0x8b: {  	s0 =	sand.u32 $0x1, s1  }
0x8c: {  	s17 =	sshll.u32 s0, $0xA;
	s2 =	sadd.s32 s3, s2  }
0x8d: {  	s2 =	sadd.s32 s2, s17  }
0x8e: {  	[smem:$0x3FC4] =	sst s2  }
0x8f: {  	_ = 	snop  }
0x90: {  	s2 =	sld [smem:$0x3FD0];
	(tm) =	ssettm $0x1  }
0x91: {  	s18 =	sld [smem:$0x3FFB];
	_ =	sdelay $0x3  }
0x92: {  	_ =	strace s18  }
0x93: {  	s3 =	sld [smem:$0x3FFC];
	_ =	sdelay $0x3  }
0x94: {  	_ =	strace s3  }
0x95: {  	s3 =	sld [smem:$0x3FFD];
	_ =	sdelay $0x3  }
0x96: {  	_ =	strace s3  }
0x97: {  	_ =	strace $0x8FFFFFFF  }
0x98: {  	s19 =	sld [smem:$0x3FDB];
	_ =	sdelay $0x1  }
0x99: {  	s4 =	simm.s32 $_scs_section_size  }
0x9a: {  	s5 =	simm.s32 $_size__tile_overlayer_lowered;
	s6 =	simm.s32 $_tile_overlayer_lowered  }
0x9b: {  	s22 =	simm.s32 $0x1BFF;
	s21 =	sshll.u32 s6, $0x1;
	s3 =	sadd.s32 s4, s19  }
0x9c: {  	s7 =	simm.s32 $0x0;
	s20 =	sshll.u32 s5, $0x1;
	s5 =	sadd.s32 s21, s3  }
0x9d: {  	[timem:s7], [sflag:s22] =	dma.local [hbm:s5], s20  }
0x9e: {  	_ =	swait.ge [sflag:s22], s20  }
0x9f: {  	s4 =	ssub.s32 $0x0, s20;
	[sflag:s22] =	ssyncset.done $0x0  }
0xa0: {  	[sflag:s22] =	ssyncadd.s32 s4;
	_ =	sdelay $0x1  }
0xa1: {  	s23 =	simm.s32 $0x1B8B  }
0xa2: {  	_ =	swait.ge [sflag:s23], $0x1  }
0xa3: {  	[sflag:s23] =	ssyncset.done $0x0  }
0xa4: {  	s25 =	simm.s32 $0x1B8E;
	s24 =	sld [smem:$0x3FFE];
	[sflag:s23] =	ssyncadd.s32 $0xFFFFFFFF  }
0xa5: {  	s26 =	simm.s32 $execute0_lowered;
	[smem:$0x3FD2] =	sst s25  }
0xa6: {  	s5 =	sshll.u32 s26, $0x1;
	_ =	strace $0x80000049;
	[dreg:$0x1] =	wrdreg $0xFFFFFFFF  }
0xa7: {  	s28 =	simm.s32 $_size_execute0_lowered;
	s3 =	sadd.s32 s3, s5;
	[dreg:$0x0] =	wrdreg $0x0  }
0xa8: {  	s5 =	sshll.u32 s28, $0x1;
	[dreg:$0x2] =	wrdreg s3  }
0xa9: {  	[dreg:$0x3] =	wrdreg s5  }
0xaa: {  	[dreg:$0x4] =	wrdreg $0xC0  }
0xab: {  	_ =	task [dreg:s7], $0x5FFFF  }
0xac: {  	[dreg:$0x1] =	wrdreg $0xFFFFFFFF  }
0xad: {  	[dreg:$0x0] =	wrdreg $0x60  }
0xae: {  	[dreg:$0x2] =	wrdreg s24  }
0xaf: {  	[dreg:$0x3] =	wrdreg s2  }
0xb0: {  	[dreg:$0x4] =	wrdreg $0x94000  }
0xb1: {  	[dreg:$0x5] =	wrdreg $0x9  }
0xb2: {  	_ =	task.clear_ibuf [dreg:s7], $0x6FFFF;
	_ =	strace $0x90000049  }
0xb3: {  	s29 =	simm.s32 $0x9;
	_ =	strace $0x8000004B  }
0xb4: {  	_ =	swait.ge [sflag:s29], $0x1  }
0xb5: {  	[sflag:s29] =	ssyncadd.s32 $0xFFFFFFFF  }
0xb6: {  	_ =	strace $0x9000004B  }
0xb7: {  	_ =	sfence  }
0xb8: {  	s30 =	sld [smem:$0x0];
	_ =	sdelay $0x2  }
0xb9: {  	s31 =	sshll.u32 s1, $0xD;
	s1 =	sshrl.u32 s1, $0x2  }
0xba: {  	s3 =	sand.u32 $0x4000, s31;
	s1 =	sadd.s32 s1, s30  }
0xbb: {  	s0 =	sor.u32 s3, s0;
	s1 =	sshll.u32 s1, $0x11  }
0xbc: {  	s0 =	sor.u32 s1, s0  }
0xbd: {  	s0 =	sadd.s32 $0x8F2B, s0  }
0xbe: {  	[sflag:s0] =	ssyncadd.remote.s32 $0x1  }
0xbf: {  	_ =	sfence.sel $0xFFFF  }
0xc0: {  	[dreg:$0x0] =	wrdreg $0xFFFFFFFF;
	(pc) =	sbr.abs _section_cstart, $3  }
0xc1: {  	[dreg:$0x1] =	wrdreg $0xFFFFFFFF  }
0xc2: {  	_ =	task.clear_ibuf [dreg:s7], $0x2FFFF;
	_ =	strace $0x9FFFFFFF  }
0xc3: {  	(tm) =	ssettm $0x7FFFFFFF  }
tec
execute0_lowered:
.L_overlay_start_1:
0x0: {  	(tag) =	ssettag $0x1  }
0x1: {  	s5 =	rddreg [dreg:$0x0]  }
0x2: {  	s1 =	rddreg [dreg:$0x1]  }
0x3: {  	s3 =	rddreg [dreg:$0x2]  }
0x4: {  	s2 =	srdreg.scid;
	s0 =	rddreg [dreg:$0x3]  }
0x5: {  	s4 =	simm.s32 $0x0;
	s12 =	simm.s32 $0x1;
	s13 =	simm.s32 $0x2  }
0x6: {  	s14 =	simm.s32 $0x80;
	s15 =	simm.s32 $0x5200;
	s16 =	simm.s32 $0x7200  }
0x7: {  	s17 =	simm.s32 $0x3;
	s18 =	simm.s32 $0x2880;
	s19 =	simm.s32 $0x5100  }
0x8: {  	s20 =	simm.s32 $0x5180;
	s6 =	sand.u32 $0x1, s2;
	s2 =	stileid.u32  }
0x9: {  	s22 =	simm.s32 $0x0;
	[smem:$0x7FF] =	sst s4;
	s8 =	smul.u32 $0x140000, s6  }
0xa: {  	s7 =	sshll.u32 s6, $0x4;
	s9 =	smul.u32 $0x14000, s2;
	_ =	strace $0x8000004A  }
0xb: {  	s10 =	smul.u32 $0x28000, s2;
	s6 =	ssub.s32 $0x2, s6;
	s7 =	sor.u32 s2, s7  }
0xc: {  	s31 =	sshrl.u32 s6, $0x1;
	s7 =	smul.u32 $0x520, s7;
	s8 =	sadd.s32 s9, s8  }
0xd: {  	s10 =	sshrl.u32 s10, $0x2;
	s11 =	ssub.s32 s6, s31;
	s9 =	sshrl.u32 s9, $0x1  }
0xe: {  	s8 =	sshrl.u32 s8, $0x4;
	s21 =	sadd.s32 s9, s3;
	s9 =	smax.u32 s11, $0x1  }
0xf: {  	s11 =	simm.s32 $0x2900;
	s7 =	sadd.s32 s7, s5;
	s8 =	sadd.s32 s8, s5  }
0x10: {  	s5 =	sadd.s32 s10, s3;
	s10 =	simm.s32 $0x9200;
	s21 =	sshrl.u32 s21, $0x3  }
0x11: {  	v0 =	vimm.bf16 $0.0e+00;
	s6 =	sadd.s32 $0xB200, s7;
	s7 =	sadd.s32 $0xE00, s7;
	s8 =	sadd.s32 $0x15600, s8  }
.LBB2_1:
0x12: {  	[tilespmem:$0x9200] =	vst v0  }
0x13: {  	[tilespmem:$0x9210] =	vst v0  }
0x14: {  	[tilespmem:$0x9220] =	vst v0  }
0x15: {  	[tilespmem:$0x9230] =	vst v0  }
0x16: {  	[tilespmem:$0x9240] =	vst v0  }
0x17: {  	[tilespmem:$0x9250] =	vst v0  }
0x18: {  	[tilespmem:$0x9260] =	vst v0  }
0x19: {  	[tilespmem:$0x9270] =	vst v0  }
0x1a: {  	[tilespmem:$0x9280] =	vst v0  }
0x1b: {  	[tilespmem:$0x9290] =	vst v0  }
0x1c: {  	[tilespmem:$0x92A0] =	vst v0  }
0x1d: {  	[tilespmem:$0x92B0] =	vst v0  }
0x1e: {  	[tilespmem:$0x92C0] =	vst v0  }
0x1f: {  	[tilespmem:$0x92D0] =	vst v0  }
0x20: {  	[tilespmem:$0x92E0] =	vst v0  }
0x21: {  	[tilespmem:$0x92F0] =	vst v0  }
0x22: {  	[tilespmem:$0x9300] =	vst v0  }
0x23: {  	[tilespmem:$0x9310] =	vst v0  }
0x24: {  	[tilespmem:$0x9320] =	vst v0  }
0x25: {  	[tilespmem:$0x9330] =	vst v0  }
0x26: {  	[tilespmem:$0x9340] =	vst v0  }
0x27: {  	[tilespmem:$0x9350] =	vst v0  }
0x28: {  	[tilespmem:$0x9360] =	vst v0  }
0x29: {  	[tilespmem:$0x9370] =	vst v0  }
0x2a: {  	[tilespmem:$0x9380] =	vst v0  }
0x2b: {  	[tilespmem:$0x9390] =	vst v0  }
0x2c: {  	[tilespmem:$0x93A0] =	vst v0  }
0x2d: {  	[tilespmem:$0x93B0] =	vst v0  }
0x2e: {  	[tilespmem:$0x93C0] =	vst v0  }
0x2f: {  	[tilespmem:$0x93D0] =	vst v0  }
0x30: {  	[tilespmem:$0x93E0] =	vst v0  }
0x31: {  	[tilespmem:$0x93F0] =	vst v0;
	s23 =	simm.s32 $0x800;
	s24 =	sadd.s32 $0x0, s5  }
.LBB2_2:
0x32: {  	[spmem:s24] =	stream.linear.scatter [tilespmem:s10], [sflag:$0x1], $0x200, $0x38;
	[tilespmem:$0x13400] =	vst v63  }
0x33: {  	s24 =	smov.u32 s23;
	p0 =	sne.s32 s23, $0x27800  }
.Ltmp0:
0x34: {  	s23 =	sadd.s32 $0x800, s23;
	(pc) =	sbr.rel @p0 .LBB2_2-.Ltmp0, $3  }
0x35: {  	_ =	sdelay $0x1  }
0x36: {  	s24 =	sshra.s32 s24, $0x2  }
0x37: {  	s24 =	sadd.s32 s24, s5  }
0x38: {  	[spmem:s24] =	stream.linear.scatter [tilespmem:s10], [sflag:$0x1], $0x200, $0x38;
	[tilespmem:$0x13400] =	vst v63  }
0x39: {  	_ = 	snop  }
0x3a: {  	[tilespmem:s4], [sflag:$0x2] =	stream.linear.gather [hbm4b:s6+s4], $0x2900, $0x38;
	[tilespmem:$0x13400] =	vst v63  }
0x3b: {  	_ = 	snop  }
0x3c: {  	[tilespmem:s11], [sflag:$0x2] =	stream.linear.gather [hbm4b:s7+s4], $0x2900, $0x38;
	[tilespmem:$0x13400] =	vst v63  }
0x3d: {  	_ =	swait.ge [sflag:s12], $0x200  }
0x3e: {  	s23 =	simm.s32 $0x4F;
	[sflag:s12] =	ssyncset.done $0x0  }
.LBB2_4:
0x3f: {  	p0 =	sne.s32 s23, $0x1;
	s23 =	sadd.s32 $0xFFFFFFFF, s23;
	[sflag:s12] =	ssyncadd.s32 $0xFFFFFE00  }
.Ltmp1:
0x40: {  	(pc) =	sbr.rel @p0 .LBB2_4-.Ltmp1, $3  }
0x41: {  	_ =	sdelay $0x1  }
0x42: {  	_ =	swait.ge [sflag:s12], $0x200  }
0x43: {  	[sflag:s12] =	ssyncset.done $0x0  }
0x44: {  	[sflag:s12] =	ssyncadd.s32 $0xFFFFFE00  }
0x45: {  	_ =	swait.ge [sflag:s13], $0x2900  }
0x46: {  	[sflag:s13] =	ssyncset.done $0x0  }
0x47: {  	[sflag:s13] =	ssyncadd.s32 $0xFFFFD700  }
0x48: {  	_ =	swait.ge [sflag:s13], $0x2900  }
0x49: {  	[sflag:s13] =	ssyncset.done $0x0  }
0x4a: {  	[sflag:s13] =	ssyncadd.s32 $0xFFFFD700  }
0x4b: {  	s23 =	simm.s32 $0x0;
	[bflag:$0x0] =	sbarrier.arrive $0xFFFF  }
0x4c: {  	[tilespmem:s15], [sflag:$0x1] =	stream.indirect.gather [hbm4b:s1+s14], $0x40, s23, s14, $0xb8;
	[tilespmem:$0x13400] =	vst v63  }
0x4d: {  	s28 =	simm.s32 $0x80  }
0x4e: {  	[tilespmem:s16], [sflag:$0x2] =	stream.indirect.gather [hbm4b:s1+s14], $0x40, s28, s14, $0xb8;
	[tilespmem:$0x13400] =	vst v63  }
0x4f: {  	_ =	swait.ge [sflag:s12], $0x2000  }
0x50: {  	[sflag:s12] =	ssyncset.done $0x0  }
0x51: {  	s29 =	simm.s32 $0x2900;
	[sflag:s12] =	ssyncadd.s32 $0xFFFFE000  }
0x52: {  	[spmem:s3] =	stream.indirect.scatter.add.bf16 [tilespmem:s15], [sflag:$0x3], $0x40, s29, s14, $0xb8;
	[tilespmem:$0x13400] =	vst v63  }
0x53: {  	_ =	swait.ge [sflag:s17], $0x2000  }
0x54: {  	[sflag:s17] =	ssyncset.done $0x0  }
0x55: {  	s30 =	simm.s32 $0x100;
	[sflag:s17] =	ssyncadd.s32 $0xFFFFE000  }
0x56: {  	[tilespmem:s15], [sflag:$0x1] =	stream.indirect.gather [hbm4b:s1+s14], $0x40, s30, s14, $0xb8;
	[tilespmem:$0x13400] =	vst v63  }
0x57: {  	_ =	swait.ge [sflag:s13], $0x2000  }
0x58: {  	[sflag:s13] =	ssyncset.done $0x0  }
0x59: {  	s31 =	simm.s32 $0x2980;
	[sflag:s13] =	ssyncadd.s32 $0xFFFFE000  }
0x5a: {  	[spmem:s3] =	stream.indirect.scatter.add.bf16 [tilespmem:s16], [sflag:$0x3], $0x40, s31, s14, $0xb8;
	[tilespmem:$0x13400] =	vst v63  }
0x5b: {  	_ =	swait.ge [sflag:s17], $0x2000  }
0x5c: {  	s24 =	simm.s32 $0x800;
	s23 =	simm.s32 $0x100;
	[sflag:s17] =	ssyncset.done $0x0  }
.LBB2_6:
0x5d: {  	s25 =	sadd.s32 $0x80, s23  }
0x5e: {  	[sflag:s17] =	ssyncadd.s32 $0xFFFFE000;
	s26 =	smov.u32 s24;
	s28 =	sadd.s32 $0x400, s24  }
0x5f: {  	[tilespmem:s16], [sflag:$0x2] =	stream.indirect.gather [hbm4b:s1+s14], $0x40, s25, s14, $0xb8;
	[tilespmem:$0x13400] =	vst v63  }
0x60: {  	p0 =	sne.s32 s24, $0x9C00;
	_ =	swait.ge [sflag:s12], $0x2000  }
0x61: {  	[sflag:s12] =	ssyncset.done $0x0  }
0x62: {  	s24 =	sadd.s32 $0x2900, s23;
	[sflag:s12] =	ssyncadd.s32 $0xFFFFE000  }
0x63: {  	[spmem:s3] =	stream.indirect.scatter.add.bf16 [tilespmem:s15], [sflag:$0x3], $0x40, s24, s14, $0xb8;
	[tilespmem:$0x13400] =	vst v63  }
0x64: {  	_ =	swait.ge [sflag:s17], $0x2000  }
0x65: {  	[sflag:s17] =	ssyncset.done $0x0  }
0x66: {  	s24 =	sadd.s32 $0x100, s23;
	[sflag:s17] =	ssyncadd.s32 $0xFFFFE000  }
0x67: {  	[tilespmem:s15], [sflag:$0x1] =	stream.indirect.gather [hbm4b:s1+s14], $0x40, s24, s14, $0xb8;
	[tilespmem:$0x13400] =	vst v63  }
0x68: {  	_ =	swait.ge [sflag:s13], $0x2000  }
.Ltmp2:
0x69: {  	[sflag:s13] =	ssyncset.done $0x0;
	(pc) =	sbr.rel @p0 .LBB2_6-.Ltmp2, $4  }
0x6a: {  	s23 =	sadd.s32 $0x2980, s23;
	[sflag:s13] =	ssyncadd.s32 $0xFFFFE000  }
0x6b: {  	[spmem:s3] =	stream.indirect.scatter.add.bf16 [tilespmem:s16], [sflag:$0x3], $0x40, s23, s14, $0xb8;
	[tilespmem:$0x13400] =	vst v63  }
0x6c: {  	_ =	swait.ge [sflag:s17], $0x2000  }
0x6d: {  	s24 =	smov.u32 s28;
	s23 =	sshra.s32 s26, $0x2;
	[sflag:s17] =	ssyncset.done $0x0  }
0x6e: {  	s24 =	sadd.s32 $0x80, s23;
	[sflag:s17] =	ssyncadd.s32 $0xFFFFE000  }
0x6f: {  	[tilespmem:s16], [sflag:$0x2] =	stream.indirect.gather [hbm4b:s1+s14], $0x40, s24, s14, $0xb8;
	[tilespmem:$0x13400] =	vst v63  }
0x70: {  	_ =	swait.ge [sflag:s12], $0x2000  }
0x71: {  	[sflag:s12] =	ssyncset.done $0x0  }
0x72: {  	s28 =	sadd.s32 $0x2900, s23;
	[sflag:s12] =	ssyncadd.s32 $0xFFFFE000  }
0x73: {  	[spmem:s3] =	stream.indirect.scatter.add.bf16 [tilespmem:s15], [sflag:$0x3], $0x40, s28, s14, $0xb8;
	[tilespmem:$0x13400] =	vst v63  }
0x74: {  	_ =	swait.ge [sflag:s17], $0x2000  }
0x75: {  	[sflag:s17] =	ssyncset.done $0x0  }
0x76: {  	s29 =	sadd.s32 $0x100, s23;
	[sflag:s17] =	ssyncadd.s32 $0xFFFFE000  }
0x77: {  	[tilespmem:s15], [sflag:$0x1] =	stream.indirect.gather [hbm4b:s1+s14], $0x40, s29, s14, $0xb8;
	[tilespmem:$0x13400] =	vst v63  }
0x78: {  	_ =	swait.ge [sflag:s13], $0x2000  }
0x79: {  	[sflag:s13] =	ssyncset.done $0x0  }
0x7a: {  	s30 =	sadd.s32 $0x2980, s23;
	[sflag:s13] =	ssyncadd.s32 $0xFFFFE000  }
0x7b: {  	[spmem:s3] =	stream.indirect.scatter.add.bf16 [tilespmem:s16], [sflag:$0x3], $0x40, s30, s14, $0xb8;
	[tilespmem:$0x13400] =	vst v63  }
0x7c: {  	_ =	swait.ge [sflag:s17], $0x2000  }
0x7d: {  	[sflag:s17] =	ssyncset.done $0x0  }
0x7e: {  	[sflag:s17] =	ssyncadd.s32 $0xFFFFE000  }
0x7f: {  	[tilespmem:s16], [sflag:$0x2] =	stream.indirect.gather [hbm4b:s1+s14], $0x40, s18, s14, $0xb8;
	[tilespmem:$0x13400] =	vst v63  }
0x80: {  	_ =	swait.ge [sflag:s12], $0x2000  }
0x81: {  	[sflag:s12] =	ssyncset.done $0x0  }
0x82: {  	[sflag:s12] =	ssyncadd.s32 $0xFFFFE000  }
0x83: {  	[spmem:s3] =	stream.indirect.scatter.add.bf16 [tilespmem:s15], [sflag:$0x3], $0x40, s19, s14, $0xb8;
	[tilespmem:$0x13400] =	vst v63  }
0x84: {  	_ =	swait.ge [sflag:s17], $0x2000  }
0x85: {  	[sflag:s17] =	ssyncset.done $0x0  }
0x86: {  	[sflag:s17] =	ssyncadd.s32 $0xFFFFE000  }
0x87: {  	_ =	swait.ge [sflag:s13], $0x2000  }
0x88: {  	[sflag:s13] =	ssyncset.done $0x0  }
0x89: {  	[sflag:s13] =	ssyncadd.s32 $0xFFFFE000  }
0x8a: {  	[spmem:s3] =	stream.indirect.scatter.add.bf16 [tilespmem:s16], [sflag:$0x3], $0x40, s20, s14, $0xb8;
	[tilespmem:$0x13400] =	vst v63  }
0x8b: {  	_ =	swait.ge [sflag:s17], $0x2000  }
0x8c: {  	s22 =	sadd.s32 $0x1, s22;
	[sflag:s17] =	ssyncset.done $0x0  }
0x8d: {  	s31 =	sshll.u32 s2, $0x6;
	p0 =	sne.s32 s22, s9;
	[sflag:s17] =	ssyncadd.s32 $0xFFFFE000  }
.Ltmp3:
0x8e: {  	s23 =	sor.u32 $0x1C03, s31;
	[bflag:$0x0] =	sbarrier.arrive $0xFFFF;
	(pc) =	sbr.rel @p0 .LBB2_1-.Ltmp3, $4  }
0x8f: {  	[hbm:s8], [sflag:s23] =	dma.local [spmem:s21], $0x1400  }
0x90: {  	_ =	swait.ge [sflag:s17], $0x1400  }
0x91: {  	[sflag:s17] =	ssyncset.done $0x0  }
0x92: {  	[sflag:s17] =	ssyncadd.s32 $0xFFFFEC00  }
0x93: {  	_ =	sfence.sel $0x180000  }
0x94: {  	[bflag:$0x0] =	sbarrier.arrive $0xFFFF  }
0x95: {  	p0 =	sne.s32 s2, $0x0;
	_ =	strace $0x9000004A  }
0x96: {  	s0 =	sadd.s32 @!p0 $0x100000, s0;
	[bflag:$0x2] =	sbarrier.arrive $0xFFFF  }
0x97: {  	[sflag:s0] =	ssyncadd.tile.s32 @!p0 $0x1;
	_ =	shalt  }
.Lfunc_end2:
_tile_overlayer_lowered:
.L_overlay_start_2:
0x98: {  	(tag) =	ssettag $0x2  }
0x99: {  	s0 =	rddreg [dreg:$0x0];
	s2 =	stileid.u32  }
0x9a: {  	s1 =	rddreg [dreg:$0x1];
	p0 =	sne.s32 s2, $0x0  }
0x9b: {  	s3 =	rddreg [dreg:$0x2];
	[bflag:$0x3] =	sbarrier.arrive $0xFFFF;
	s2 =	simm.s32 @!p0 $0x1C03  }
0x9c: {  	[timem:s3], [sflag:s2] =	dma.local @!p0 [hbm:s0], s1  }
0x9d: {  	s0 =	simm.s32 @!p0 $0x3  }
0x9e: {  	_ =	swait.ge @!p0 [sflag:s0], s1  }
0x9f: {  	s1 =	ssub.s32 @!p0 $0x0, s1;
	[sflag:s0] =	ssyncset.done @!p0 $0x0  }
0xa0: {  	[sflag:s0] =	ssyncadd.s32 @!p0 s1  }
0xa1: {  	[bflag:$0x3] =	sbarrier.arrive $0xFFFF  }
0xa2: {  	_ =	shalt  }

</sc_bundles>
